<compile_context>
chip_gen: v7x
topology: tpu7x:2x2x1
jax: 0.10.2.dev20260603
libtpu: 0.0.44.dev20260713+nightly
codegen_flags: <defaults>
</compile_context>

<pallas_src>
import jax
import jax.numpy as jnp
from jax import lax
from jax.experimental import pallas as pl
from jax.experimental.pallas import tpu as pltpu
from jax.experimental.pallas import tpu_sc as plsc

L = 16
SHIFT = 19
NBK = 4080
NREP = 8
REGION = 8193
DUMP = 4096 + NBK
HWORDS = 65552
ROWW = 2 * NBK + L
UNROLL = 8
NPIX = 512 * 512
NPW = NPIX // 2
CHUNK = 8192
NCHUNK = NPW // CHUNK
NIMG = 16


def _phase1_body(l_hbm, t_hbm, w_hbm, lbuf, tbuf, hist, red, sem_l, sem_t):
    wid = lax.axis_index("s") * 2 + lax.axis_index("c")
    img = wid // 2
    half = wid % 2

    lanes = lax.iota(jnp.int32, L)
    rep_base = (lanes & (NREP - 1)) * REGION
    dump_idx = rep_base + DUMP
    lomask = lanes < NREP
    himask = lanes >= NREP
    ones = jnp.ones((L,), jnp.float32)
    zeros = jnp.zeros((L,), jnp.float32)
    izeros = jnp.zeros((L,), jnp.int32)

    rbase = wid * (NPW // 512)
    CROWS = CHUNK // 512

    def start(c, b):
        pltpu.async_copy(l_hbm.at[pl.ds(rbase + c * CROWS, CROWS)], lbuf.at[b], sem_l)
        pltpu.async_copy(t_hbm.at[pl.ds(rbase + c * CROWS, CROWS)], tbuf.at[b], sem_t)

    def drain(c, b):
        pltpu.make_async_copy(l_hbm.at[pl.ds(rbase + c * CROWS, CROWS)], lbuf.at[b], sem_l).wait()
        pltpu.make_async_copy(t_hbm.at[pl.ds(rbase + c * CROWS, CROWS)], tbuf.at[b], sem_t).wait()

    start(0, 0)

    @plsc.parallel_loop(0, HWORDS // L, 1, unroll=UNROLL)
    def _zero(j):
        hist[pl.ds(j * L, L)] = zeros

    def chunk_pair_body(c2, pacc):
        acc = pacc
        for b in range(2):
            c = c2 * 2 + b
            drain(c, b)

            @pl.when(c + 1 < NCHUNK)
            def _():
                start(c + 1, 1 - b)

            @plsc.parallel_loop(0, CHUNK // L, 1, unroll=UNROLL, carry=acc)
            def px_body(j, pacc_in):
                r = jax.lax.shift_right_logical(j, 5)
                o = (j & 31) * L
                lv = lbuf[b, r, pl.ds(o, L)]
                tv = tbuf[b, r, pl.ds(o, L)]
                li = jax.lax.bitcast_convert_type(lv, jnp.int32)
                xi = li ^ jax.lax.shift_left(tv, 31)
                e = 1.0 + jax.lax.bitcast_convert_type(xi, jnp.float32)
                bits = jax.lax.bitcast_convert_type(e, jnp.int32)
                pos = bits > 0
                binv = jax.lax.shift_right_arithmetic(bits, SHIFT)
                idx = rep_base + (jax.lax.shift_left(tv, 12) | binv)
                idx = jnp.where(pos, idx, dump_idx)
                plsc.addupdate_scatter(hist, [idx], ones, mask=lomask)
                plsc.addupdate_scatter(hist, [idx], ones, mask=himask)
                return pacc_in + tv

            acc = px_body
        return acc

    pacc = lax.fori_loop(0, NCHUNK // 2, chunk_pair_body, izeros)

    @plsc.parallel_loop(0, NBK // L, 1, unroll=4)
    def _red(j):
        for h in range(2):
            jo = j * L
            acc = hist[pl.ds(h * 4096 + jo, L)]
            for r in range(1, NREP):
                acc = acc + hist[pl.ds(r * REGION + h * 4096 + jo, L)]
            red[pl.ds(h * NBK + jo, L)] = acc

    red[pl.ds(2 * NBK, L)] = pacc.astype(jnp.float32)
    pltpu.sync_copy(red, w_hbm.at[pl.ds((half * NIMG + img) * ROWW, ROWW)])


def _phase2_body(w_hbm, o_hbm, v0, v1, obuf):
    wid = lax.axis_index("s") * 2 + lax.axis_index("c")
    img = wid // 2
    hingebit = wid % 2

    pltpu.sync_copy(w_hbm.at[pl.ds(img * ROWW, ROWW)], v0)
    pltpu.sync_copy(w_hbm.at[pl.ds((NIMG + img) * ROWW, ROWW)], v1)

    p1 = jnp.sum(v0[pl.ds(2 * NBK, L)] + v1[pl.ds(2 * NBK, L)])
    fh = hingebit.astype(jnp.float32)
    p = p1 * (1.0 - fh) + (float(NPIX) - p1) * fh
    offp = (1 - hingebit) * NBK
    offn = hingebit * NBK

    lanes = lax.iota(jnp.int32, L)

    def grp_body(gg, carry):
        ap, an, acc = carry
        g = (NBK // L - 1) - gg
        hp = v0[pl.ds(offp + g * L, L)] + v1[pl.ds(offp + g * L, L)]
        hn = v0[pl.ds(offn + g * L, L)] + v1[pl.ds(offn + g * L, L)]
        sp = plsc.cumsum(hp)
        sn = plsc.cumsum(hn)
        gp = jnp.sum(hp)
        gn = jnp.sum(hn)
        a_p = ap + (gp - sp)
        a_n = an + (gn - sn)
        num = p - a_p
        js = 1.0 - num / jnp.maximum(p + a_n, 1.0)
        je = 1.0 - (num - hp) / jnp.maximum(p + a_n + hn, 1.0)
        binvec = g * L + lanes
        cbits = jax.lax.shift_left(binvec, SHIFT) + (1 << (SHIFT - 1))
        center = jax.lax.bitcast_convert_type(cbits, jnp.float32)
        return (ap + gp, an + gn, acc + center * (je - js))

    zeros = jnp.zeros((L,), jnp.float32)
    _, _, acc = lax.fori_loop(0, NBK // L, grp_body, (0.0, 0.0, zeros))
    obuf[...] = acc
    pltpu.sync_copy(obuf, o_hbm.at[pl.ds((hingebit * NIMG + img) * L, L)])


def _phase3_body(x_ref, o_ref):
    val = jnp.sum(x_ref[...]) * (1.0 / 32.0)
    o_ref[...] = jnp.broadcast_to(val, (1, 1))


def kernel(outputs, targets):
    lf = outputs.reshape(16 * 512, 512)
    tf = targets.reshape(16 * 512, 512)

    mesh = plsc.VectorSubcoreMesh(core_axis_name="c", subcore_axis_name="s")
    sc_params = pltpu.CompilerParams(needs_layout_passes=False)

    p1 = pl.kernel(
        _phase1_body,
        out_type=jax.ShapeDtypeStruct((32 * ROWW,), jnp.float32),
        mesh=mesh,
        compiler_params=sc_params,
        scratch_types=[
            pltpu.VMEM((2, CHUNK // 512, 512), jnp.float32),
            pltpu.VMEM((2, CHUNK // 512, 512), jnp.int32),
            pltpu.VMEM((HWORDS,), jnp.float32),
            pltpu.VMEM((ROWW,), jnp.float32),
            pltpu.SemaphoreType.DMA,
            pltpu.SemaphoreType.DMA,
        ],
    )
    w = p1(lf, tf)

    p2 = pl.kernel(
        _phase2_body,
        out_type=jax.ShapeDtypeStruct((32 * L,), jnp.float32),
        mesh=mesh,
        compiler_params=sc_params,
        scratch_types=[
            pltpu.VMEM((ROWW,), jnp.float32),
            pltpu.VMEM((ROWW,), jnp.float32),
            pltpu.VMEM((L,), jnp.float32),
        ],
    )
    partial = p2(w)

    res = pl.pallas_call(
        _phase3_body,
        out_shape=jax.ShapeDtypeStruct((1, 1), jnp.float32),
    )(partial.reshape(32, L))
    return res.reshape(())

# --- scband reference (transcript-rebuilt; emitter-appended) ---
"""Pipeline reference for scband-lovasz-loss-49323404427504 (READ-ONLY COPY).

The authoritative reference and input builder live on the scoring server;
editing this copy changes nothing except your own understanding.
"""

import jax, jax.numpy as jnp
import numpy as np


def lovasz_grad(gt_sorted):
    # gt_sorted: float32[P] of 0/1 labels sorted by descending error
    gts = jnp.sum(gt_sorted)
    intersection = gts - jnp.cumsum(gt_sorted)
    union = gts + jnp.cumsum(1.0 - gt_sorted)
    jaccard = 1.0 - intersection / union
    jaccard = jnp.concatenate([jaccard[:1], jaccard[1:] - jaccard[:-1]])
    return jaccard


def lovasz_hinge_flat(logits, labels):
    # logits: float32[P], labels: float32[P] in {0,1}
    signs = 2.0 * labels - 1.0
    errors = 1.0 - logits * signs
    order = jnp.argsort(-errors)          # descending sort of hinge errors
    errors_sorted = errors[order]
    gt_sorted = labels[order]
    grad = jax.lax.stop_gradient(lovasz_grad(gt_sorted))  # torch detaches grad via Variable()
    return jnp.dot(jax.nn.relu(errors_sorted), grad)


def lovasz_hinge(logits, labels):
    # per_image=True: compute loss per image then mean
    B = logits.shape[0]
    lf = logits.reshape(B, -1)
    yf = labels.reshape(B, -1)
    losses = jax.vmap(lovasz_hinge_flat)(lf, yf)
    return jnp.mean(losses)


def symmetric_lovasz(outputs, targets):
    t = targets.astype(jnp.float32)
    return (lovasz_hinge(outputs, t) + lovasz_hinge(-outputs, 1.0 - t)) * 0.5


def setup_inputs(seed: int = 0) -> dict:
    key = jax.random.key(seed)
    k1, k2 = jax.random.split(key)
    outputs = jax.random.normal(k1, (16, 512, 512), dtype=jnp.float32)
    targets = jax.random.randint(k2, (16, 512, 512), 0, 2, dtype=jnp.int32)
    return {"outputs": outputs, "targets": targets}


def reference(outputs, targets):
    # LovaszLoss.forward: contiguous() is a no-op numerically; ignore_index=255
    # never occurs since targets are in {0,1}, so the valid-pixel filter is identity.
    return symmetric_lovasz(outputs, targets)

if __name__ == "__main__":
    import jax
    _d = setup_inputs()
    print(jax.jit(kernel)(*tuple(_d.values())))

</pallas_src>

<mosaic_0001>
#map = affine_map<(d0, d1) -> (0, 0)>
#map1 = affine_map<(d0, d1) -> (0)>
module attributes {stable_mosaic.version = 14 : i64} {
  func.func @_phase1_body(%arg0: i32, %arg1: i32, %arg2: memref<8192x512xf32, #tpu.memory_space<hbm>>, %arg3: memref<8192x512xi32, #tpu.memory_space<hbm>>, %arg4: memref<261632xf32, #tpu.memory_space<hbm>>, %arg5: memref<2x16x512xf32, #tpu.memory_space<vmem>>, %arg6: memref<2x16x512xi32, #tpu.memory_space<vmem>>, %arg7: memref<65552xf32, #tpu.memory_space<vmem>>, %arg8: memref<8176xf32, #tpu.memory_space<vmem>>, %arg9: memref<!tpu.dma_semaphore, #tpu.memory_space<semaphore_mem>>, %arg10: memref<!tpu.dma_semaphore, #tpu.memory_space<semaphore_mem>>) attributes {dimension_semantics = [#tpu.dimension_semantics<core_parallel>, #tpu.dimension_semantics<subcore_parallel>], iteration_bounds = array<i64: 2, 16>, scalar_prefetch = 0 : i64, scratch_operands = 6 : i64, tpu.core_type = #tpu.core_type<sc_vector_subcore>, window_params = [{transform_indices = #map}, {transform_indices = #map}, {transform_indices = #map1}]} {
    %mul3A = arith.constant 2 : i32
    %mul3A_0 = arith.muli %arg1, %mul3A : i32
    %add3A = arith.addi %mul3A_0, %arg0 : i32
    %jit3A = arith.constant 2 : i32
    %div3A = arith.divsi %add3A, %jit3A : i32
    %sign3A = arith.constant 0 : i32
    %sign3A_1 = arith.cmpi sgt, %add3A, %sign3A : i32
    %sign3A_2 = arith.extui %sign3A_1 : i1 to i32
    %sign3A_3 = arith.constant 0 : i32
    %sign3A_4 = arith.cmpi slt, %add3A, %sign3A_3 : i32
    %sign3A_5 = arith.extui %sign3A_4 : i1 to i32
    %sign3A_6 = arith.subi %sign3A_2, %sign3A_5 : i32
    %sign3A_7 = arith.constant 0 : i32
    %sign3A_8 = arith.cmpi sgt, %jit3A, %sign3A_7 : i32
    %sign3A_9 = arith.extui %sign3A_8 : i1 to i32
    %sign3A_10 = arith.constant 0 : i32
    %sign3A_11 = arith.cmpi slt, %jit3A, %sign3A_10 : i32
    %sign3A_12 = arith.extui %sign3A_11 : i1 to i32
    %sign3A_13 = arith.subi %sign3A_9, %sign3A_12 : i32
    %ne3A = arith.cmpi ne, %sign3A_6, %sign3A_13 : i32
    %rem3A = arith.remsi %add3A, %jit3A : i32
    %ne3A_14 = arith.constant 0 : i32
    %ne3A_15 = arith.cmpi ne, %rem3A, %ne3A_14 : i32
    %and3A = arith.andi %ne3A, %ne3A_15 : i1
    %sub3A = arith.constant 1 : i32
    %sub3A_16 = arith.subi %div3A, %sub3A : i32
    %select_n3A = arith.select %and3A, %sub3A_16, %div3A : i32
    %jit3A_17 = arith.constant 2 : i32
    %eq3A = arith.constant 0 : i32
    %eq3A_18 = arith.cmpi eq, %jit3A_17, %eq3A : i32
    %jit3A_19 = arith.constant 1 : i32
    %select_n3A_20 = arith.select %eq3A_18, %jit3A_19, %jit3A_17 : i32
    %rem3A_21 = arith.remsi %add3A, %select_n3A_20 : i32
    %ne3A_22 = arith.constant 0 : i32
    %ne3A_23 = arith.cmpi ne, %rem3A_21, %ne3A_22 : i32
    %lt3A = arith.constant 0 : i32
    %lt3A_24 = arith.cmpi slt, %rem3A_21, %lt3A : i32
    %lt3A_25 = arith.constant 0 : i32
    %lt3A_26 = arith.cmpi slt, %select_n3A_20, %lt3A_25 : i32
    %ne3A_27 = arith.xori %lt3A_24, %lt3A_26 : i1
    %and3A_28 = arith.andi %ne3A_27, %ne3A_23 : i1
    %add3A_29 = arith.addi %rem3A_21, %select_n3A_20 : i32
    %select_n3A_30 = arith.select %and3A_28, %add3A_29, %rem3A_21 : i32
    %iota3A = tpu.iota {dimensions = array<i32: 0>} : vector<16xi32>
    %and3A_31 = arith.constant 7 : i32
    %and3A_32 = vector.broadcast %and3A_31 : i32 to vector<16xi32>
    %and3A_33 = arith.andi %iota3A, %and3A_32 : vector<16xi32>
    %mul3A_34 = arith.constant 8193 : i32
    %mul3A_35 = vector.broadcast %mul3A_34 : i32 to vector<16xi32>
    %mul3A_36 = arith.muli %and3A_33, %mul3A_35 : vector<16xi32>
    %add3A_37 = arith.constant 8176 : i32
    %add3A_38 = vector.broadcast %add3A_37 : i32 to vector<16xi32>
    %add3A_39 = arith.addi %mul3A_36, %add3A_38 : vector<16xi32>
    %lt3A_40 = arith.constant 8 : i32
    %lt3A_41 = vector.broadcast %lt3A_40 : i32 to vector<16xi32>
    %lt3A_42 = arith.cmpi slt, %iota3A, %lt3A_41 : vector<16xi32>
    %ge3A = arith.constant 8 : i32
    %ge3A_43 = vector.broadcast %ge3A : i32 to vector<16xi32>
    %ge3A_44 = arith.cmpi sge, %iota3A, %ge3A_43 : vector<16xi32>
    %broadcast_in_dim3A = arith.constant 1.000000e+00 : f32
    %broadcast_in_dim3A_45 = vector.broadcast %broadcast_in_dim3A : f32 to vector<16xf32>
    %broadcast_in_dim3A_46 = arith.constant 0.000000e+00 : f32
    %broadcast_in_dim3A_47 = vector.broadcast %broadcast_in_dim3A_46 : f32 to vector<16xf32>
    %broadcast_in_dim3A_48 = arith.constant 0 : i32
    %broadcast_in_dim3A_49 = vector.broadcast %broadcast_in_dim3A_48 : i32 to vector<16xi32>
    %mul3A_50 = arith.constant 256 : i32
    %mul3A_51 = arith.muli %add3A, %mul3A_50 : i32
    %add3A_52 = arith.constant 0 : i32
    %add3A_53 = arith.addi %mul3A_51, %add3A_52 : i32
    %dma_start3A = arith.constant 0 : i32
    %dma_start3A_54 = arith.constant 0 : i32
    %dma_start3A_55 = arith.constant 0 : i32
    %dma_start3A_56 = tpu.memref_slice %arg5[%dma_start3A, %dma_start3A_54, %dma_start3A_55] : memref<2x16x512xf32, #tpu.memory_space<vmem>> -> memref<1x16x512xf32, #tpu.memory_space<vmem>>
    %dma_start3A_57 = tpu.memref_squeeze %dma_start3A_56 : memref<1x16x512xf32, #tpu.memory_space<vmem>> -> memref<16x512xf32, #tpu.memory_space<vmem>>
    %dma_start3A_58 = arith.constant 0 : i32
    %dma_start3A_59 = tpu.memref_slice %arg2[%add3A_53, %dma_start3A_58] : memref<8192x512xf32, #tpu.memory_space<hbm>> -> memref<16x512xf32, #tpu.memory_space<hbm>>
    %dma_start3A_60 = arith.constant 0 : i32
    %dma_start3A_61 = arith.constant 0 : i32
    %dma_start3A_62 = tpu.memref_slice %arg5[%dma_start3A, %dma_start3A_60, %dma_start3A_61] : memref<2x16x512xf32, #tpu.memory_space<vmem>> -> memref<1x16x512xf32, #tpu.memory_space<vmem>>
    %dma_start3A_63 = tpu.memref_squeeze %dma_start3A_62 : memref<1x16x512xf32, #tpu.memory_space<vmem>> -> memref<16x512xf32, #tpu.memory_space<vmem>>
    %dma_start3A_64 = arith.constant 0 : i32
    %dma_start3A_65 = tpu.memref_slice %arg2[%add3A_53, %dma_start3A_64] : memref<8192x512xf32, #tpu.memory_space<hbm>> -> memref<16x512xf32, #tpu.memory_space<hbm>>
    tpu.enqueue_dma source(%dma_start3A_65 : memref<16x512xf32, #tpu.memory_space<hbm>>) target(%dma_start3A_63 : memref<16x512xf32, #tpu.memory_space<vmem>>) target_semaphore(%arg9 : memref<!tpu.dma_semaphore, #tpu.memory_space<semaphore_mem>>)
    %add3A_66 = arith.constant 0 : i32
    %add3A_67 = arith.addi %mul3A_51, %add3A_66 : i32
    %dma_start3A_68 = arith.constant 0 : i32
    %dma_start3A_69 = arith.constant 0 : i32
    %dma_start3A_70 = arith.constant 0 : i32
    %dma_start3A_71 = tpu.memref_slice %arg6[%dma_start3A_68, %dma_start3A_69, %dma_start3A_70] : memref<2x16x512xi32, #tpu.memory_space<vmem>> -> memref<1x16x512xi32, #tpu.memory_space<vmem>>
    %dma_start3A_72 = tpu.memref_squeeze %dma_start3A_71 : memref<1x16x512xi32, #tpu.memory_space<vmem>> -> memref<16x512xi32, #tpu.memory_space<vmem>>
    %dma_start3A_73 = arith.constant 0 : i32
    %dma_start3A_74 = tpu.memref_slice %arg3[%add3A_67, %dma_start3A_73] : memref<8192x512xi32, #tpu.memory_space<hbm>> -> memref<16x512xi32, #tpu.memory_space<hbm>>
    %dma_start3A_75 = arith.constant 0 : i32
    %dma_start3A_76 = arith.constant 0 : i32
    %dma_start3A_77 = tpu.memref_slice %arg6[%dma_start3A_68, %dma_start3A_75, %dma_start3A_76] : memref<2x16x512xi32, #tpu.memory_space<vmem>> -> memref<1x16x512xi32, #tpu.memory_space<vmem>>
    %dma_start3A_78 = tpu.memref_squeeze %dma_start3A_77 : memref<1x16x512xi32, #tpu.memory_space<vmem>> -> memref<16x512xi32, #tpu.memory_space<vmem>>
    %dma_start3A_79 = arith.constant 0 : i32
    %dma_start3A_80 = tpu.memref_slice %arg3[%add3A_67, %dma_start3A_79] : memref<8192x512xi32, #tpu.memory_space<hbm>> -> memref<16x512xi32, #tpu.memory_space<hbm>>
    tpu.enqueue_dma source(%dma_start3A_80 : memref<16x512xi32, #tpu.memory_space<hbm>>) target(%dma_start3A_78 : memref<16x512xi32, #tpu.memory_space<vmem>>) target_semaphore(%arg10 : memref<!tpu.dma_semaphore, #tpu.memory_space<semaphore_mem>>)
    %parallel_loop3A = arith.constant 0 : i32
    %parallel_loop3A_81 = arith.constant 4097 : i32
    %parallel_loop3A_82 = arith.constant 1 : i32
    scf.for %parallel_loop3A_97 = %parallel_loop3A to %parallel_loop3A_81 step %parallel_loop3A_82  : i32 {
      %parallel_loop3A_98 = arith.constant 16 : i32
      %parallel_loop3A_99 = arith.muli %parallel_loop3A_97, %parallel_loop3A_98 : i32
      %parallel_loop3A_100 = arith.index_cast %parallel_loop3A_99 : i32 to index
      %parallel_loop3A_101 = tpu.vector_load %arg7[%parallel_loop3A_100] {strides = array<i32>} : memref<65552xf32, #tpu.memory_space<vmem>>, vector<16xf32>,
      tpu.vector_store %arg7[%parallel_loop3A_100], %broadcast_in_dim3A_47 {strides = array<i32>} : memref<65552xf32, #tpu.memory_space<vmem>>, vector<16xf32>,
    } {sc.loop_unroll_factor = 8 : i64, sc.parallel_access}
    %scan3A = arith.constant 0 : i32
    %scan3A_83 = arith.constant 8 : i32
    %scan3A_84 = arith.addi %scan3A, %scan3A_83 : i32
    %scan3A_85 = arith.constant 1 : i32
    %scan3A_86 = scf.for %scan3A_97 = %scan3A to %scan3A_84 step %scan3A_85 iter_args(%scan3A_98 = %broadcast_in_dim3A_49) -> (vector<16xi32>)  : i32 {
      %mul3A_99 = arith.constant 2 : i32
      %mul3A_100 = arith.muli %scan3A_97, %mul3A_99 : i32
      %add3A_101 = arith.constant 0 : i32
      %add3A_102 = arith.addi %mul3A_100, %add3A_101 : i32
      %mul3A_103 = arith.constant 16 : i32
      %mul3A_104 = arith.muli %add3A_102, %mul3A_103 : i32
      %add3A_105 = arith.addi %mul3A_51, %mul3A_104 : i32
      %dma_wait3A = arith.constant 0 : i32
      %dma_wait3A_106 = arith.constant 0 : i32
      %dma_wait3A_107 = arith.constant 0 : i32
      %dma_wait3A_108 = tpu.memref_slice %arg5[%dma_wait3A, %dma_wait3A_106, %dma_wait3A_107] : memref<2x16x512xf32, #tpu.memory_space<vmem>> -> memref<1x16x512xf32, #tpu.memory_space<vmem>>
      %dma_wait3A_109 = tpu.memref_squeeze %dma_wait3A_108 : memref<1x16x512xf32, #tpu.memory_space<vmem>> -> memref<16x512xf32, #tpu.memory_space<vmem>>
      %dma_wait3A_110 = arith.constant 0 : i32
      %dma_wait3A_111 = tpu.memref_slice %arg2[%add3A_105, %dma_wait3A_110] : memref<8192x512xf32, #tpu.memory_space<hbm>> -> memref<16x512xf32, #tpu.memory_space<hbm>>
      %dma_wait3A_112 = arith.constant 0 : i32
      %dma_wait3A_113 = arith.constant 0 : i32
      %dma_wait3A_114 = tpu.memref_slice %arg5[%dma_wait3A, %dma_wait3A_112, %dma_wait3A_113] : memref<2x16x512xf32, #tpu.memory_space<vmem>> -> memref<1x16x512xf32, #tpu.memory_space<vmem>>
      %dma_wait3A_115 = tpu.memref_squeeze %dma_wait3A_114 : memref<1x16x512xf32, #tpu.memory_space<vmem>> -> memref<16x512xf32, #tpu.memory_space<vmem>>
      %dma_wait3A_116 = arith.constant 0 : i32
      %dma_wait3A_117 = tpu.memref_slice %arg2[%add3A_105, %dma_wait3A_116] : memref<8192x512xf32, #tpu.memory_space<hbm>> -> memref<16x512xf32, #tpu.memory_space<hbm>>
      tpu.wait_dma2 semaphore(%arg9 : memref<!tpu.dma_semaphore, #tpu.memory_space<semaphore_mem>>) src(%dma_wait3A_117 : memref<16x512xf32, #tpu.memory_space<hbm>>) dst(%dma_wait3A_115 : memref<16x512xf32, #tpu.memory_space<vmem>>)
      %mul3A_118 = arith.constant 16 : i32
      %mul3A_119 = arith.muli %add3A_102, %mul3A_118 : i32
      %add3A_120 = arith.addi %mul3A_51, %mul3A_119 : i32
      %dma_wait3A_121 = arith.constant 0 : i32
      %dma_wait3A_122 = arith.constant 0 : i32
      %dma_wait3A_123 = arith.constant 0 : i32
      %dma_wait3A_124 = tpu.memref_slice %arg6[%dma_wait3A_121, %dma_wait3A_122, %dma_wait3A_123] : memref<2x16x512xi32, #tpu.memory_space<vmem>> -> memref<1x16x512xi32, #tpu.memory_space<vmem>>
      %dma_wait3A_125 = tpu.memref_squeeze %dma_wait3A_124 : memref<1x16x512xi32, #tpu.memory_space<vmem>> -> memref<16x512xi32, #tpu.memory_space<vmem>>
      %dma_wait3A_126 = arith.constant 0 : i32
      %dma_wait3A_127 = tpu.memref_slice %arg3[%add3A_120, %dma_wait3A_126] : memref<8192x512xi32, #tpu.memory_space<hbm>> -> memref<16x512xi32, #tpu.memory_space<hbm>>
      %dma_wait3A_128 = arith.constant 0 : i32
      %dma_wait3A_129 = arith.constant 0 : i32
      %dma_wait3A_130 = tpu.memref_slice %arg6[%dma_wait3A_121, %dma_wait3A_128, %dma_wait3A_129] : memref<2x16x512xi32, #tpu.memory_space<vmem>> -> memref<1x16x512xi32, #tpu.memory_space<vmem>>
      %dma_wait3A_131 = tpu.memref_squeeze %dma_wait3A_130 : memref<1x16x512xi32, #tpu.memory_space<vmem>> -> memref<16x512xi32, #tpu.memory_space<vmem>>
      %dma_wait3A_132 = arith.constant 0 : i32
      %dma_wait3A_133 = tpu.memref_slice %arg3[%add3A_120, %dma_wait3A_132] : memref<8192x512xi32, #tpu.memory_space<hbm>> -> memref<16x512xi32, #tpu.memory_space<hbm>>
      tpu.wait_dma2 semaphore(%arg10 : memref<!tpu.dma_semaphore, #tpu.memory_space<semaphore_mem>>) src(%dma_wait3A_133 : memref<16x512xi32, #tpu.memory_space<hbm>>) dst(%dma_wait3A_131 : memref<16x512xi32, #tpu.memory_space<vmem>>)
      %add3A_134 = arith.constant 1 : i32
      %add3A_135 = arith.addi %add3A_102, %add3A_134 : i32
      %lt3A_136 = arith.constant 16 : i32
      %lt3A_137 = arith.cmpi slt, %add3A_135, %lt3A_136 : i32
      %convert_element_type3A_138 = arith.extui %lt3A_137 : i1 to i32
      %cond3A = arith.constant 0 : i32
      %cond3A_139 = arith.cmpi ne, %convert_element_type3A_138, %cond3A : i32
      scf.if %cond3A_139 {
        %add3A_191 = arith.constant 1 : i32
        %add3A_192 = arith.addi %add3A_102, %add3A_191 : i32
        %mul3A_193 = arith.constant 16 : i32
        %mul3A_194 = arith.muli %add3A_192, %mul3A_193 : i32
        %add3A_195 = arith.addi %mul3A_51, %mul3A_194 : i32
        %dma_start3A_196 = arith.constant 1 : i32
        %dma_start3A_197 = arith.constant 0 : i32
        %dma_start3A_198 = arith.constant 0 : i32
        %dma_start3A_199 = tpu.memref_slice %arg5[%dma_start3A_196, %dma_start3A_197, %dma_start3A_198] : memref<2x16x512xf32, #tpu.memory_space<vmem>> -> memref<1x16x512xf32, #tpu.memory_space<vmem>>
        %dma_start3A_200 = tpu.memref_squeeze %dma_start3A_199 : memref<1x16x512xf32, #tpu.memory_space<vmem>> -> memref<16x512xf32, #tpu.memory_space<vmem>>
        %dma_start3A_201 = arith.constant 0 : i32
        %dma_start3A_202 = tpu.memref_slice %arg2[%add3A_195, %dma_start3A_201] : memref<8192x512xf32, #tpu.memory_space<hbm>> -> memref<16x512xf32, #tpu.memory_space<hbm>>
        %dma_start3A_203 = arith.constant 0 : i32
        %dma_start3A_204 = arith.constant 0 : i32
        %dma_start3A_205 = tpu.memref_slice %arg5[%dma_start3A_196, %dma_start3A_203, %dma_start3A_204] : memref<2x16x512xf32, #tpu.memory_space<vmem>> -> memref<1x16x512xf32, #tpu.memory_space<vmem>>
        %dma_start3A_206 = tpu.memref_squeeze %dma_start3A_205 : memref<1x16x512xf32, #tpu.memory_space<vmem>> -> memref<16x512xf32, #tpu.memory_space<vmem>>
        %dma_start3A_207 = arith.constant 0 : i32
        %dma_start3A_208 = tpu.memref_slice %arg2[%add3A_195, %dma_start3A_207] : memref<8192x512xf32, #tpu.memory_space<hbm>> -> memref<16x512xf32, #tpu.memory_space<hbm>>
        tpu.enqueue_dma source(%dma_start3A_208 : memref<16x512xf32, #tpu.memory_space<hbm>>) target(%dma_start3A_206 : memref<16x512xf32, #tpu.memory_space<vmem>>) target_semaphore(%arg9 : memref<!tpu.dma_semaphore, #tpu.memory_space<semaphore_mem>>)
        %mul3A_209 = arith.constant 16 : i32
        %mul3A_210 = arith.muli %add3A_192, %mul3A_209 : i32
        %add3A_211 = arith.addi %mul3A_51, %mul3A_210 : i32
        %dma_start3A_212 = arith.constant 1 : i32
        %dma_start3A_213 = arith.constant 0 : i32
        %dma_start3A_214 = arith.constant 0 : i32
        %dma_start3A_215 = tpu.memref_slice %arg6[%dma_start3A_212, %dma_start3A_213, %dma_start3A_214] : memref<2x16x512xi32, #tpu.memory_space<vmem>> -> memref<1x16x512xi32, #tpu.memory_space<vmem>>
        %dma_start3A_216 = tpu.memref_squeeze %dma_start3A_215 : memref<1x16x512xi32, #tpu.memory_space<vmem>> -> memref<16x512xi32, #tpu.memory_space<vmem>>
        %dma_start3A_217 = arith.constant 0 : i32
        %dma_start3A_218 = tpu.memref_slice %arg3[%add3A_211, %dma_start3A_217] : memref<8192x512xi32, #tpu.memory_space<hbm>> -> memref<16x512xi32, #tpu.memory_space<hbm>>
        %dma_start3A_219 = arith.constant 0 : i32
        %dma_start3A_220 = arith.constant 0 : i32
        %dma_start3A_221 = tpu.memref_slice %arg6[%dma_start3A_212, %dma_start3A_219, %dma_start3A_220] : memref<2x16x512xi32, #tpu.memory_space<vmem>> -> memref<1x16x512xi32, #tpu.memory_space<vmem>>
        %dma_start3A_222 = tpu.memref_squeeze %dma_start3A_221 : memref<1x16x512xi32, #tpu.memory_space<vmem>> -> memref<16x512xi32, #tpu.memory_space<vmem>>
        %dma_start3A_223 = arith.constant 0 : i32
        %dma_start3A_224 = tpu.memref_slice %arg3[%add3A_211, %dma_start3A_223] : memref<8192x512xi32, #tpu.memory_space<hbm>> -> memref<16x512xi32, #tpu.memory_space<hbm>>
        tpu.enqueue_dma source(%dma_start3A_224 : memref<16x512xi32, #tpu.memory_space<hbm>>) target(%dma_start3A_222 : memref<16x512xi32, #tpu.memory_space<vmem>>) target_semaphore(%arg10 : memref<!tpu.dma_semaphore, #tpu.memory_space<semaphore_mem>>)
      } else {
      }
      %parallel_loop3A_140 = arith.constant 0 : i32
      %parallel_loop3A_141 = arith.constant 512 : i32
      %parallel_loop3A_142 = arith.constant 1 : i32
      %parallel_loop3A_143 = scf.for %parallel_loop3A_191 = %parallel_loop3A_140 to %parallel_loop3A_141 step %parallel_loop3A_142 iter_args(%parallel_loop3A_192 = %scan3A_98) -> (vector<16xi32>)  : i32 {
        %parallel_loop3A_193 = arith.constant 5 : i32
        %parallel_loop3A_194 = arith.shrui %parallel_loop3A_191, %parallel_loop3A_193 : i32
        %parallel_loop3A_195 = arith.constant 31 : i32
        %parallel_loop3A_196 = arith.andi %parallel_loop3A_191, %parallel_loop3A_195 : i32
        %parallel_loop3A_197 = arith.constant 16 : i32
        %parallel_loop3A_198 = arith.muli %parallel_loop3A_196, %parallel_loop3A_197 : i32
        %parallel_loop3A_199 = arith.constant 0 : i32
        %parallel_loop3A_200 = arith.index_cast %parallel_loop3A_199 : i32 to index
        %parallel_loop3A_201 = arith.index_cast %parallel_loop3A_194 : i32 to index
        %parallel_loop3A_202 = arith.index_cast %parallel_loop3A_198 : i32 to index
        %parallel_loop3A_203 = tpu.vector_load %arg5[%parallel_loop3A_200, %parallel_loop3A_201, %parallel_loop3A_202] {strides = array<i32>} : memref<2x16x512xf32, #tpu.memory_space<vmem>>, vector<16xf32>,
        %parallel_loop3A_204 = arith.constant 0 : i32
        %parallel_loop3A_205 = arith.index_cast %parallel_loop3A_204 : i32 to index
        %parallel_loop3A_206 = arith.index_cast %parallel_loop3A_194 : i32 to index
        %parallel_loop3A_207 = arith.index_cast %parallel_loop3A_198 : i32 to index
        %parallel_loop3A_208 = tpu.vector_load %arg6[%parallel_loop3A_205, %parallel_loop3A_206, %parallel_loop3A_207] {strides = array<i32>} : memref<2x16x512xi32, #tpu.memory_space<vmem>>, vector<16xi32>,
        %parallel_loop3A_209 = tpu.bitcast %parallel_loop3A_203 : vector<16xf32> -> vector<16xi32>
        %parallel_loop3A_210 = arith.constant 31 : i32
        %parallel_loop3A_211 = vector.broadcast %parallel_loop3A_210 : i32 to vector<16xi32>
        %parallel_loop3A_212 = arith.shli %parallel_loop3A_208, %parallel_loop3A_211 : vector<16xi32>
        %parallel_loop3A_213 = arith.xori %parallel_loop3A_209, %parallel_loop3A_212 : vector<16xi32>
        %parallel_loop3A_214 = tpu.bitcast %parallel_loop3A_213 : vector<16xi32> -> vector<16xf32>
        %parallel_loop3A_215 = arith.constant 1.000000e+00 : f32
        %parallel_loop3A_216 = vector.broadcast %parallel_loop3A_215 : f32 to vector<16xf32>
        %parallel_loop3A_217 = arith.addf %parallel_loop3A_216, %parallel_loop3A_214 : vector<16xf32>
        %parallel_loop3A_218 = tpu.bitcast %parallel_loop3A_217 : vector<16xf32> -> vector<16xi32>
        %parallel_loop3A_219 = arith.constant 0 : i32
        %parallel_loop3A_220 = vector.broadcast %parallel_loop3A_219 : i32 to vector<16xi32>
        %parallel_loop3A_221 = arith.cmpi sgt, %parallel_loop3A_218, %parallel_loop3A_220 : vector<16xi32>
        %parallel_loop3A_222 = arith.constant 19 : i32
        %parallel_loop3A_223 = vector.broadcast %parallel_loop3A_222 : i32 to vector<16xi32>
        %parallel_loop3A_224 = arith.shrsi %parallel_loop3A_218, %parallel_loop3A_223 : vector<16xi32>
        %parallel_loop3A_225 = arith.constant 12 : i32
        %parallel_loop3A_226 = vector.broadcast %parallel_loop3A_225 : i32 to vector<16xi32>
        %parallel_loop3A_227 = arith.shli %parallel_loop3A_208, %parallel_loop3A_226 : vector<16xi32>
        %parallel_loop3A_228 = arith.ori %parallel_loop3A_227, %parallel_loop3A_224 : vector<16xi32>
        %parallel_loop3A_229 = arith.addi %mul3A_36, %parallel_loop3A_228 : vector<16xi32>
        %parallel_loop3A_230 = arith.select %parallel_loop3A_221, %parallel_loop3A_229, %add3A_39 : vector<16xi1>, vector<16xi32>
        tpu.vector_store_idx %arg7[%parallel_loop3A_230], %broadcast_in_dim3A_45 masked %lt3A_42 {add = true} : memref<65552xf32, #tpu.memory_space<vmem>>[vector<16xi32>], vector<16xf32>, vector<16xi1>
        tpu.vector_store_idx %arg7[%parallel_loop3A_230], %broadcast_in_dim3A_45 masked %ge3A_44 {add = true} : memref<65552xf32, #tpu.memory_space<vmem>>[vector<16xi32>], vector<16xf32>, vector<16xi1>
        %parallel_loop3A_231 = arith.addi %parallel_loop3A_192, %parallel_loop3A_208 : vector<16xi32>
        scf.yield %parallel_loop3A_231 : vector<16xi32>
      } {sc.loop_unroll_factor = 8 : i64, sc.parallel_access}
      %mul3A_144 = arith.constant 2 : i32
      %mul3A_145 = arith.muli %scan3A_97, %mul3A_144 : i32
      %add3A_146 = arith.constant 1 : i32
      %add3A_147 = arith.addi %mul3A_145, %add3A_146 : i32
      %mul3A_148 = arith.constant 16 : i32
      %mul3A_149 = arith.muli %add3A_147, %mul3A_148 : i32
      %add3A_150 = arith.addi %mul3A_51, %mul3A_149 : i32
      %dma_wait3A_151 = arith.constant 1 : i32
      %dma_wait3A_152 = arith.constant 0 : i32
      %dma_wait3A_153 = arith.constant 0 : i32
      %dma_wait3A_154 = tpu.memref_slice %arg5[%dma_wait3A_151, %dma_wait3A_152, %dma_wait3A_153] : memref<2x16x512xf32, #tpu.memory_space<vmem>> -> memref<1x16x512xf32, #tpu.memory_space<vmem>>
      %dma_wait3A_155 = tpu.memref_squeeze %dma_wait3A_154 : memref<1x16x512xf32, #tpu.memory_space<vmem>> -> memref<16x512xf32, #tpu.memory_space<vmem>>
      %dma_wait3A_156 = arith.constant 0 : i32
      %dma_wait3A_157 = tpu.memref_slice %arg2[%add3A_150, %dma_wait3A_156] : memref<8192x512xf32, #tpu.memory_space<hbm>> -> memref<16x512xf32, #tpu.memory_space<hbm>>
      %dma_wait3A_158 = arith.constant 0 : i32
      %dma_wait3A_159 = arith.constant 0 : i32
      %dma_wait3A_160 = tpu.memref_slice %arg5[%dma_wait3A_151, %dma_wait3A_158, %dma_wait3A_159] : memref<2x16x512xf32, #tpu.memory_space<vmem>> -> memref<1x16x512xf32, #tpu.memory_space<vmem>>
      %dma_wait3A_161 = tpu.memref_squeeze %dma_wait3A_160 : memref<1x16x512xf32, #tpu.memory_space<vmem>> -> memref<16x512xf32, #tpu.memory_space<vmem>>
      %dma_wait3A_162 = arith.constant 0 : i32
      %dma_wait3A_163 = tpu.memref_slice %arg2[%add3A_150, %dma_wait3A_162] : memref<8192x512xf32, #tpu.memory_space<hbm>> -> memref<16x512xf32, #tpu.memory_space<hbm>>
      tpu.wait_dma2 semaphore(%arg9 : memref<!tpu.dma_semaphore, #tpu.memory_space<semaphore_mem>>) src(%dma_wait3A_163 : memref<16x512xf32, #tpu.memory_space<hbm>>) dst(%dma_wait3A_161 : memref<16x512xf32, #tpu.memory_space<vmem>>)
      %mul3A_164 = arith.constant 16 : i32
      %mul3A_165 = arith.muli %add3A_147, %mul3A_164 : i32
      %add3A_166 = arith.addi %mul3A_51, %mul3A_165 : i32
      %dma_wait3A_167 = arith.constant 1 : i32
      %dma_wait3A_168 = arith.constant 0 : i32
      %dma_wait3A_169 = arith.constant 0 : i32
      %dma_wait3A_170 = tpu.memref_slice %arg6[%dma_wait3A_167, %dma_wait3A_168, %dma_wait3A_169] : memref<2x16x512xi32, #tpu.memory_space<vmem>> -> memref<1x16x512xi32, #tpu.memory_space<vmem>>
      %dma_wait3A_171 = tpu.memref_squeeze %dma_wait3A_170 : memref<1x16x512xi32, #tpu.memory_space<vmem>> -> memref<16x512xi32, #tpu.memory_space<vmem>>
      %dma_wait3A_172 = arith.constant 0 : i32
      %dma_wait3A_173 = tpu.memref_slice %arg3[%add3A_166, %dma_wait3A_172] : memref<8192x512xi32, #tpu.memory_space<hbm>> -> memref<16x512xi32, #tpu.memory_space<hbm>>
      %dma_wait3A_174 = arith.constant 0 : i32
      %dma_wait3A_175 = arith.constant 0 : i32
      %dma_wait3A_176 = tpu.memref_slice %arg6[%dma_wait3A_167, %dma_wait3A_174, %dma_wait3A_175] : memref<2x16x512xi32, #tpu.memory_space<vmem>> -> memref<1x16x512xi32, #tpu.memory_space<vmem>>
      %dma_wait3A_177 = tpu.memref_squeeze %dma_wait3A_176 : memref<1x16x512xi32, #tpu.memory_space<vmem>> -> memref<16x512xi32, #tpu.memory_space<vmem>>
      %dma_wait3A_178 = arith.constant 0 : i32
      %dma_wait3A_179 = tpu.memref_slice %arg3[%add3A_166, %dma_wait3A_178] : memref<8192x512xi32, #tpu.memory_space<hbm>> -> memref<16x512xi32, #tpu.memory_space<hbm>>
      tpu.wait_dma2 semaphore(%arg10 : memref<!tpu.dma_semaphore, #tpu.memory_space<semaphore_mem>>) src(%dma_wait3A_179 : memref<16x512xi32, #tpu.memory_space<hbm>>) dst(%dma_wait3A_177 : memref<16x512xi32, #tpu.memory_space<vmem>>)
      %add3A_180 = arith.constant 1 : i32
      %add3A_181 = arith.addi %add3A_147, %add3A_180 : i32
      %lt3A_182 = arith.constant 16 : i32
      %lt3A_183 = arith.cmpi slt, %add3A_181, %lt3A_182 : i32
      %convert_element_type3A_184 = arith.extui %lt3A_183 : i1 to i32
      %cond3A_185 = arith.constant 0 : i32
      %cond3A_186 = arith.cmpi ne, %convert_element_type3A_184, %cond3A_185 : i32
      scf.if %cond3A_186 {
        %add3A_191 = arith.constant 1 : i32
        %add3A_192 = arith.addi %add3A_147, %add3A_191 : i32
        %mul3A_193 = arith.constant 16 : i32
        %mul3A_194 = arith.muli %add3A_192, %mul3A_193 : i32
        %add3A_195 = arith.addi %mul3A_51, %mul3A_194 : i32
        %dma_start3A_196 = arith.constant 0 : i32
        %dma_start3A_197 = arith.constant 0 : i32
        %dma_start3A_198 = arith.constant 0 : i32
        %dma_start3A_199 = tpu.memref_slice %arg5[%dma_start3A_196, %dma_start3A_197, %dma_start3A_198] : memref<2x16x512xf32, #tpu.memory_space<vmem>> -> memref<1x16x512xf32, #tpu.memory_space<vmem>>
        %dma_start3A_200 = tpu.memref_squeeze %dma_start3A_199 : memref<1x16x512xf32, #tpu.memory_space<vmem>> -> memref<16x512xf32, #tpu.memory_space<vmem>>
        %dma_start3A_201 = arith.constant 0 : i32
        %dma_start3A_202 = tpu.memref_slice %arg2[%add3A_195, %dma_start3A_201] : memref<8192x512xf32, #tpu.memory_space<hbm>> -> memref<16x512xf32, #tpu.memory_space<hbm>>
        %dma_start3A_203 = arith.constant 0 : i32
        %dma_start3A_204 = arith.constant 0 : i32
        %dma_start3A_205 = tpu.memref_slice %arg5[%dma_start3A_196, %dma_start3A_203, %dma_start3A_204] : memref<2x16x512xf32, #tpu.memory_space<vmem>> -> memref<1x16x512xf32, #tpu.memory_space<vmem>>
        %dma_start3A_206 = tpu.memref_squeeze %dma_start3A_205 : memref<1x16x512xf32, #tpu.memory_space<vmem>> -> memref<16x512xf32, #tpu.memory_space<vmem>>
        %dma_start3A_207 = arith.constant 0 : i32
        %dma_start3A_208 = tpu.memref_slice %arg2[%add3A_195, %dma_start3A_207] : memref<8192x512xf32, #tpu.memory_space<hbm>> -> memref<16x512xf32, #tpu.memory_space<hbm>>
        tpu.enqueue_dma source(%dma_start3A_208 : memref<16x512xf32, #tpu.memory_space<hbm>>) target(%dma_start3A_206 : memref<16x512xf32, #tpu.memory_space<vmem>>) target_semaphore(%arg9 : memref<!tpu.dma_semaphore, #tpu.memory_space<semaphore_mem>>)
        %mul3A_209 = arith.constant 16 : i32
        %mul3A_210 = arith.muli %add3A_192, %mul3A_209 : i32
        %add3A_211 = arith.addi %mul3A_51, %mul3A_210 : i32
        %dma_start3A_212 = arith.constant 0 : i32
        %dma_start3A_213 = arith.constant 0 : i32
        %dma_start3A_214 = arith.constant 0 : i32
        %dma_start3A_215 = tpu.memref_slice %arg6[%dma_start3A_212, %dma_start3A_213, %dma_start3A_214] : memref<2x16x512xi32, #tpu.memory_space<vmem>> -> memref<1x16x512xi32, #tpu.memory_space<vmem>>
        %dma_start3A_216 = tpu.memref_squeeze %dma_start3A_215 : memref<1x16x512xi32, #tpu.memory_space<vmem>> -> memref<16x512xi32, #tpu.memory_space<vmem>>
        %dma_start3A_217 = arith.constant 0 : i32
        %dma_start3A_218 = tpu.memref_slice %arg3[%add3A_211, %dma_start3A_217] : memref<8192x512xi32, #tpu.memory_space<hbm>> -> memref<16x512xi32, #tpu.memory_space<hbm>>
        %dma_start3A_219 = arith.constant 0 : i32
        %dma_start3A_220 = arith.constant 0 : i32
        %dma_start3A_221 = tpu.memref_slice %arg6[%dma_start3A_212, %dma_start3A_219, %dma_start3A_220] : memref<2x16x512xi32, #tpu.memory_space<vmem>> -> memref<1x16x512xi32, #tpu.memory_space<vmem>>
        %dma_start3A_222 = tpu.memref_squeeze %dma_start3A_221 : memref<1x16x512xi32, #tpu.memory_space<vmem>> -> memref<16x512xi32, #tpu.memory_space<vmem>>
        %dma_start3A_223 = arith.constant 0 : i32
        %dma_start3A_224 = tpu.memref_slice %arg3[%add3A_211, %dma_start3A_223] : memref<8192x512xi32, #tpu.memory_space<hbm>> -> memref<16x512xi32, #tpu.memory_space<hbm>>
        tpu.enqueue_dma source(%dma_start3A_224 : memref<16x512xi32, #tpu.memory_space<hbm>>) target(%dma_start3A_222 : memref<16x512xi32, #tpu.memory_space<vmem>>) target_semaphore(%arg10 : memref<!tpu.dma_semaphore, #tpu.memory_space<semaphore_mem>>)
      } else {
      }
      %parallel_loop3A_187 = arith.constant 0 : i32
      %parallel_loop3A_188 = arith.constant 512 : i32
      %parallel_loop3A_189 = arith.constant 1 : i32
      %parallel_loop3A_190 = scf.for %parallel_loop3A_191 = %parallel_loop3A_187 to %parallel_loop3A_188 step %parallel_loop3A_189 iter_args(%parallel_loop3A_192 = %parallel_loop3A_143) -> (vector<16xi32>)  : i32 {
        %parallel_loop3A_193 = arith.constant 5 : i32
        %parallel_loop3A_194 = arith.shrui %parallel_loop3A_191, %parallel_loop3A_193 : i32
        %parallel_loop3A_195 = arith.constant 31 : i32
        %parallel_loop3A_196 = arith.andi %parallel_loop3A_191, %parallel_loop3A_195 : i32
        %parallel_loop3A_197 = arith.constant 16 : i32
        %parallel_loop3A_198 = arith.muli %parallel_loop3A_196, %parallel_loop3A_197 : i32
        %parallel_loop3A_199 = arith.constant 1 : i32
        %parallel_loop3A_200 = arith.index_cast %parallel_loop3A_199 : i32 to index
        %parallel_loop3A_201 = arith.index_cast %parallel_loop3A_194 : i32 to index
        %parallel_loop3A_202 = arith.index_cast %parallel_loop3A_198 : i32 to index
        %parallel_loop3A_203 = tpu.vector_load %arg5[%parallel_loop3A_200, %parallel_loop3A_201, %parallel_loop3A_202] {strides = array<i32>} : memref<2x16x512xf32, #tpu.memory_space<vmem>>, vector<16xf32>,
        %parallel_loop3A_204 = arith.constant 1 : i32
        %parallel_loop3A_205 = arith.index_cast %parallel_loop3A_204 : i32 to index
        %parallel_loop3A_206 = arith.index_cast %parallel_loop3A_194 : i32 to index
        %parallel_loop3A_207 = arith.index_cast %parallel_loop3A_198 : i32 to index
        %parallel_loop3A_208 = tpu.vector_load %arg6[%parallel_loop3A_205, %parallel_loop3A_206, %parallel_loop3A_207] {strides = array<i32>} : memref<2x16x512xi32, #tpu.memory_space<vmem>>, vector<16xi32>,
        %parallel_loop3A_209 = tpu.bitcast %parallel_loop3A_203 : vector<16xf32> -> vector<16xi32>
        %parallel_loop3A_210 = arith.constant 31 : i32
        %parallel_loop3A_211 = vector.broadcast %parallel_loop3A_210 : i32 to vector<16xi32>
        %parallel_loop3A_212 = arith.shli %parallel_loop3A_208, %parallel_loop3A_211 : vector<16xi32>
        %parallel_loop3A_213 = arith.xori %parallel_loop3A_209, %parallel_loop3A_212 : vector<16xi32>
        %parallel_loop3A_214 = tpu.bitcast %parallel_loop3A_213 : vector<16xi32> -> vector<16xf32>
        %parallel_loop3A_215 = arith.constant 1.000000e+00 : f32
        %parallel_loop3A_216 = vector.broadcast %parallel_loop3A_215 : f32 to vector<16xf32>
        %parallel_loop3A_217 = arith.addf %parallel_loop3A_216, %parallel_loop3A_214 : vector<16xf32>
        %parallel_loop3A_218 = tpu.bitcast %parallel_loop3A_217 : vector<16xf32> -> vector<16xi32>
        %parallel_loop3A_219 = arith.constant 0 : i32
        %parallel_loop3A_220 = vector.broadcast %parallel_loop3A_219 : i32 to vector<16xi32>
        %parallel_loop3A_221 = arith.cmpi sgt, %parallel_loop3A_218, %parallel_loop3A_220 : vector<16xi32>
        %parallel_loop3A_222 = arith.constant 19 : i32
        %parallel_loop3A_223 = vector.broadcast %parallel_loop3A_222 : i32 to vector<16xi32>
        %parallel_loop3A_224 = arith.shrsi %parallel_loop3A_218, %parallel_loop3A_223 : vector<16xi32>
        %parallel_loop3A_225 = arith.constant 12 : i32
        %parallel_loop3A_226 = vector.broadcast %parallel_loop3A_225 : i32 to vector<16xi32>
        %parallel_loop3A_227 = arith.shli %parallel_loop3A_208, %parallel_loop3A_226 : vector<16xi32>
        %parallel_loop3A_228 = arith.ori %parallel_loop3A_227, %parallel_loop3A_224 : vector<16xi32>
        %parallel_loop3A_229 = arith.addi %mul3A_36, %parallel_loop3A_228 : vector<16xi32>
        %parallel_loop3A_230 = arith.select %parallel_loop3A_221, %parallel_loop3A_229, %add3A_39 : vector<16xi1>, vector<16xi32>
        tpu.vector_store_idx %arg7[%parallel_loop3A_230], %broadcast_in_dim3A_45 masked %lt3A_42 {add = true} : memref<65552xf32, #tpu.memory_space<vmem>>[vector<16xi32>], vector<16xf32>, vector<16xi1>
        tpu.vector_store_idx %arg7[%parallel_loop3A_230], %broadcast_in_dim3A_45 masked %ge3A_44 {add = true} : memref<65552xf32, #tpu.memory_space<vmem>>[vector<16xi32>], vector<16xf32>, vector<16xi1>
        %parallel_loop3A_231 = arith.addi %parallel_loop3A_192, %parallel_loop3A_208 : vector<16xi32>
        scf.yield %parallel_loop3A_231 : vector<16xi32>
      } {sc.loop_unroll_factor = 8 : i64, sc.parallel_access}
      scf.yield %parallel_loop3A_190 : vector<16xi32>
    }
    %scan3A_87 = arith.constant 8 : i32
    %parallel_loop3A_88 = arith.constant 0 : i32
    %parallel_loop3A_89 = arith.constant 255 : i32
    %parallel_loop3A_90 = arith.constant 1 : i32
    scf.for %parallel_loop3A_97 = %parallel_loop3A_88 to %parallel_loop3A_89 step %parallel_loop3A_90  : i32 {
      %parallel_loop3A_98 = arith.constant 16 : i32
      %parallel_loop3A_99 = arith.muli %parallel_loop3A_97, %parallel_loop3A_98 : i32
      %parallel_loop3A_100 = arith.constant 0 : i32
      %parallel_loop3A_101 = arith.addi %parallel_loop3A_100, %parallel_loop3A_99 : i32
      %parallel_loop3A_102 = arith.index_cast %parallel_loop3A_101 : i32 to index
      %parallel_loop3A_103 = tpu.vector_load %arg7[%parallel_loop3A_102] {strides = array<i32>} : memref<65552xf32, #tpu.memory_space<vmem>>, vector<16xf32>,
      %parallel_loop3A_104 = arith.constant 8193 : i32
      %parallel_loop3A_105 = arith.addi %parallel_loop3A_104, %parallel_loop3A_99 : i32
      %parallel_loop3A_106 = arith.index_cast %parallel_loop3A_105 : i32 to index
      %parallel_loop3A_107 = tpu.vector_load %arg7[%parallel_loop3A_106] {strides = array<i32>} : memref<65552xf32, #tpu.memory_space<vmem>>, vector<16xf32>,
      %parallel_loop3A_108 = arith.addf %parallel_loop3A_103, %parallel_loop3A_107 : vector<16xf32>
      %parallel_loop3A_109 = arith.constant 16386 : i32
      %parallel_loop3A_110 = arith.addi %parallel_loop3A_109, %parallel_loop3A_99 : i32
      %parallel_loop3A_111 = arith.index_cast %parallel_loop3A_110 : i32 to index
      %parallel_loop3A_112 = tpu.vector_load %arg7[%parallel_loop3A_111] {strides = array<i32>} : memref<65552xf32, #tpu.memory_space<vmem>>, vector<16xf32>,
      %parallel_loop3A_113 = arith.addf %parallel_loop3A_108, %parallel_loop3A_112 : vector<16xf32>
      %parallel_loop3A_114 = arith.constant 24579 : i32
      %parallel_loop3A_115 = arith.addi %parallel_loop3A_114, %parallel_loop3A_99 : i32
      %parallel_loop3A_116 = arith.index_cast %parallel_loop3A_115 : i32 to index
      %parallel_loop3A_117 = tpu.vector_load %arg7[%parallel_loop3A_116] {strides = array<i32>} : memref<65552xf32, #tpu.memory_space<vmem>>, vector<16xf32>,
      %parallel_loop3A_118 = arith.addf %parallel_loop3A_113, %parallel_loop3A_117 : vector<16xf32>
      %parallel_loop3A_119 = arith.constant 32772 : i32
      %parallel_loop3A_120 = arith.addi %parallel_loop3A_119, %parallel_loop3A_99 : i32
      %parallel_loop3A_121 = arith.index_cast %parallel_loop3A_120 : i32 to index
      %parallel_loop3A_122 = tpu.vector_load %arg7[%parallel_loop3A_121] {strides = array<i32>} : memref<65552xf32, #tpu.memory_space<vmem>>, vector<16xf32>,
      %parallel_loop3A_123 = arith.addf %parallel_loop3A_118, %parallel_loop3A_122 : vector<16xf32>
      %parallel_loop3A_124 = arith.constant 40965 : i32
      %parallel_loop3A_125 = arith.addi %parallel_loop3A_124, %parallel_loop3A_99 : i32
      %parallel_loop3A_126 = arith.index_cast %parallel_loop3A_125 : i32 to index
      %parallel_loop3A_127 = tpu.vector_load %arg7[%parallel_loop3A_126] {strides = array<i32>} : memref<65552xf32, #tpu.memory_space<vmem>>, vector<16xf32>,
      %parallel_loop3A_128 = arith.addf %parallel_loop3A_123, %parallel_loop3A_127 : vector<16xf32>
      %parallel_loop3A_129 = arith.constant 49158 : i32
      %parallel_loop3A_130 = arith.addi %parallel_loop3A_129, %parallel_loop3A_99 : i32
      %parallel_loop3A_131 = arith.index_cast %parallel_loop3A_130 : i32 to index
      %parallel_loop3A_132 = tpu.vector_load %arg7[%parallel_loop3A_131] {strides = array<i32>} : memref<65552xf32, #tpu.memory_space<vmem>>, vector<16xf32>,
      %parallel_loop3A_133 = arith.addf %parallel_loop3A_128, %parallel_loop3A_132 : vector<16xf32>
      %parallel_loop3A_134 = arith.constant 57351 : i32
      %parallel_loop3A_135 = arith.addi %parallel_loop3A_134, %parallel_loop3A_99 : i32
      %parallel_loop3A_136 = arith.index_cast %parallel_loop3A_135 : i32 to index
      %parallel_loop3A_137 = tpu.vector_load %arg7[%parallel_loop3A_136] {strides = array<i32>} : memref<65552xf32, #tpu.memory_space<vmem>>, vector<16xf32>,
      %parallel_loop3A_138 = arith.addf %parallel_loop3A_133, %parallel_loop3A_137 : vector<16xf32>
      %parallel_loop3A_139 = arith.constant 0 : i32
      %parallel_loop3A_140 = arith.addi %parallel_loop3A_139, %parallel_loop3A_99 : i32
      %parallel_loop3A_141 = arith.index_cast %parallel_loop3A_140 : i32 to index
      %parallel_loop3A_142 = tpu.vector_load %arg8[%parallel_loop3A_141] {strides = array<i32>} : memref<8176xf32, #tpu.memory_space<vmem>>, vector<16xf32>,
      tpu.vector_store %arg8[%parallel_loop3A_141], %parallel_loop3A_138 {strides = array<i32>} : memref<8176xf32, #tpu.memory_space<vmem>>, vector<16xf32>,
      %parallel_loop3A_143 = arith.constant 16 : i32
      %parallel_loop3A_144 = arith.muli %parallel_loop3A_97, %parallel_loop3A_143 : i32
      %parallel_loop3A_145 = arith.constant 4096 : i32
      %parallel_loop3A_146 = arith.addi %parallel_loop3A_145, %parallel_loop3A_144 : i32
      %parallel_loop3A_147 = arith.index_cast %parallel_loop3A_146 : i32 to index
      %parallel_loop3A_148 = tpu.vector_load %arg7[%parallel_loop3A_147] {strides = array<i32>} : memref<65552xf32, #tpu.memory_space<vmem>>, vector<16xf32>,
      %parallel_loop3A_149 = arith.constant 12289 : i32
      %parallel_loop3A_150 = arith.addi %parallel_loop3A_149, %parallel_loop3A_144 : i32
      %parallel_loop3A_151 = arith.index_cast %parallel_loop3A_150 : i32 to index
      %parallel_loop3A_152 = tpu.vector_load %arg7[%parallel_loop3A_151] {strides = array<i32>} : memref<65552xf32, #tpu.memory_space<vmem>>, vector<16xf32>,
      %parallel_loop3A_153 = arith.addf %parallel_loop3A_148, %parallel_loop3A_152 : vector<16xf32>
      %parallel_loop3A_154 = arith.constant 20482 : i32
      %parallel_loop3A_155 = arith.addi %parallel_loop3A_154, %parallel_loop3A_144 : i32
      %parallel_loop3A_156 = arith.index_cast %parallel_loop3A_155 : i32 to index
      %parallel_loop3A_157 = tpu.vector_load %arg7[%parallel_loop3A_156] {strides = array<i32>} : memref<65552xf32, #tpu.memory_space<vmem>>, vector<16xf32>,
      %parallel_loop3A_158 = arith.addf %parallel_loop3A_153, %parallel_loop3A_157 : vector<16xf32>
      %parallel_loop3A_159 = arith.constant 28675 : i32
      %parallel_loop3A_160 = arith.addi %parallel_loop3A_159, %parallel_loop3A_144 : i32
      %parallel_loop3A_161 = arith.index_cast %parallel_loop3A_160 : i32 to index
      %parallel_loop3A_162 = tpu.vector_load %arg7[%parallel_loop3A_161] {strides = array<i32>} : memref<65552xf32, #tpu.memory_space<vmem>>, vector<16xf32>,
      %parallel_loop3A_163 = arith.addf %parallel_loop3A_158, %parallel_loop3A_162 : vector<16xf32>
      %parallel_loop3A_164 = arith.constant 36868 : i32
      %parallel_loop3A_165 = arith.addi %parallel_loop3A_164, %parallel_loop3A_144 : i32
      %parallel_loop3A_166 = arith.index_cast %parallel_loop3A_165 : i32 to index
      %parallel_loop3A_167 = tpu.vector_load %arg7[%parallel_loop3A_166] {strides = array<i32>} : memref<65552xf32, #tpu.memory_space<vmem>>, vector<16xf32>,
      %parallel_loop3A_168 = arith.addf %parallel_loop3A_163, %parallel_loop3A_167 : vector<16xf32>
      %parallel_loop3A_169 = arith.constant 45061 : i32
      %parallel_loop3A_170 = arith.addi %parallel_loop3A_169, %parallel_loop3A_144 : i32
      %parallel_loop3A_171 = arith.index_cast %parallel_loop3A_170 : i32 to index
      %parallel_loop3A_172 = tpu.vector_load %arg7[%parallel_loop3A_171] {strides = array<i32>} : memref<65552xf32, #tpu.memory_space<vmem>>, vector<16xf32>,
      %parallel_loop3A_173 = arith.addf %parallel_loop3A_168, %parallel_loop3A_172 : vector<16xf32>
      %parallel_loop3A_174 = arith.constant 53254 : i32
      %parallel_loop3A_175 = arith.addi %parallel_loop3A_174, %parallel_loop3A_144 : i32
      %parallel_loop3A_176 = arith.index_cast %parallel_loop3A_175 : i32 to index
      %parallel_loop3A_177 = tpu.vector_load %arg7[%parallel_loop3A_176] {strides = array<i32>} : memref<65552xf32, #tpu.memory_space<vmem>>, vector<16xf32>,
      %parallel_loop3A_178 = arith.addf %parallel_loop3A_173, %parallel_loop3A_177 : vector<16xf32>
      %parallel_loop3A_179 = arith.constant 61447 : i32
      %parallel_loop3A_180 = arith.addi %parallel_loop3A_179, %parallel_loop3A_144 : i32
      %parallel_loop3A_181 = arith.index_cast %parallel_loop3A_180 : i32 to index
      %parallel_loop3A_182 = tpu.vector_load %arg7[%parallel_loop3A_181] {strides = array<i32>} : memref<65552xf32, #tpu.memory_space<vmem>>, vector<16xf32>,
      %parallel_loop3A_183 = arith.addf %parallel_loop3A_178, %parallel_loop3A_182 : vector<16xf32>
      %parallel_loop3A_184 = arith.constant 4080 : i32
      %parallel_loop3A_185 = arith.addi %parallel_loop3A_184, %parallel_loop3A_144 : i32
      %parallel_loop3A_186 = arith.index_cast %parallel_loop3A_185 : i32 to index
      %parallel_loop3A_187 = tpu.vector_load %arg8[%parallel_loop3A_186] {strides = array<i32>} : memref<8176xf32, #tpu.memory_space<vmem>>, vector<16xf32>,
      tpu.vector_store %arg8[%parallel_loop3A_186], %parallel_loop3A_183 {strides = array<i32>} : memref<8176xf32, #tpu.memory_space<vmem>>, vector<16xf32>,
    } {sc.loop_unroll_factor = 4 : i64, sc.parallel_access}
    %convert_element_type3A = arith.sitofp %scan3A_86 : vector<16xi32> to vector<16xf32>
    %swap3A = arith.constant 8160 : index
    %swap3A_91 = tpu.vector_load %arg8[%swap3A] {strides = array<i32>} : memref<8176xf32, #tpu.memory_space<vmem>>, vector<16xf32>,
    tpu.vector_store %arg8[%swap3A], %convert_element_type3A {strides = array<i32>} : memref<8176xf32, #tpu.memory_space<vmem>>, vector<16xf32>,
    %mul3A_92 = arith.constant 16 : i32
    %mul3A_93 = arith.muli %select_n3A_30, %mul3A_92 : i32
    %add3A_94 = arith.addi %mul3A_93, %select_n3A : i32
    %mul3A_95 = arith.constant 8176 : i32
    %mul3A_96 = arith.muli %add3A_94, %mul3A_95 : i32
    "tpu.region"() ({
      %run_scoped3A = tpu.sem_alloc : memref<!tpu.dma_semaphore, #tpu.memory_space<semaphore_mem>>
      %dma_start3A_97 = tpu.memref_slice %arg4[%mul3A_96] : memref<261632xf32, #tpu.memory_space<hbm>> -> memref<8176xf32, #tpu.memory_space<hbm>>
      %dma_start3A_98 = tpu.memref_slice %arg4[%mul3A_96] : memref<261632xf32, #tpu.memory_space<hbm>> -> memref<8176xf32, #tpu.memory_space<hbm>>
      tpu.enqueue_dma source(%arg8 : memref<8176xf32, #tpu.memory_space<vmem>>) target(%dma_start3A_98 : memref<8176xf32, #tpu.memory_space<hbm>>) target_semaphore(%run_scoped3A : memref<!tpu.dma_semaphore, #tpu.memory_space<semaphore_mem>>)
      %dma_wait3A = tpu.memref_slice %arg4[%mul3A_96] : memref<261632xf32, #tpu.memory_space<hbm>> -> memref<8176xf32, #tpu.memory_space<hbm>>
      %dma_wait3A_99 = tpu.memref_slice %arg4[%mul3A_96] : memref<261632xf32, #tpu.memory_space<hbm>> -> memref<8176xf32, #tpu.memory_space<hbm>>
      tpu.wait_dma2 semaphore(%run_scoped3A : memref<!tpu.dma_semaphore, #tpu.memory_space<semaphore_mem>>) src(%arg8 : memref<8176xf32, #tpu.memory_space<vmem>>) dst(%dma_wait3A_99 : memref<8176xf32, #tpu.memory_space<hbm>>)
      tpu.yield
    }) : () -> ()
    return
  }
}

#map = affine_map<(d0, d1) -> (0)>
module attributes {stable_mosaic.version = 14 : i64} {
  func.func @_phase2_body(%arg0: i32, %arg1: i32, %arg2: memref<261632xf32, #tpu.memory_space<hbm>>, %arg3: memref<512xf32, #tpu.memory_space<hbm>>, %arg4: memref<8176xf32, #tpu.memory_space<vmem>>, %arg5: memref<8176xf32, #tpu.memory_space<vmem>>, %arg6: memref<16xf32, #tpu.memory_space<vmem>>) attributes {dimension_semantics = [#tpu.dimension_semantics<core_parallel>, #tpu.dimension_semantics<subcore_parallel>], iteration_bounds = array<i64: 2, 16>, scalar_prefetch = 0 : i64, scratch_operands = 3 : i64, tpu.core_type = #tpu.core_type<sc_vector_subcore>, window_params = [{transform_indices = #map}, {transform_indices = #map}]} {
    %mul3A = arith.constant 2 : i32
    %mul3A_0 = arith.muli %arg1, %mul3A : i32
    %add3A = arith.addi %mul3A_0, %arg0 : i32
    %jit3A = arith.constant 2 : i32
    %div3A = arith.divsi %add3A, %jit3A : i32
    %sign3A = arith.constant 0 : i32
    %sign3A_1 = arith.cmpi sgt, %add3A, %sign3A : i32
    %sign3A_2 = arith.extui %sign3A_1 : i1 to i32
    %sign3A_3 = arith.constant 0 : i32
    %sign3A_4 = arith.cmpi slt, %add3A, %sign3A_3 : i32
    %sign3A_5 = arith.extui %sign3A_4 : i1 to i32
    %sign3A_6 = arith.subi %sign3A_2, %sign3A_5 : i32
    %sign3A_7 = arith.constant 0 : i32
    %sign3A_8 = arith.cmpi sgt, %jit3A, %sign3A_7 : i32
    %sign3A_9 = arith.extui %sign3A_8 : i1 to i32
    %sign3A_10 = arith.constant 0 : i32
    %sign3A_11 = arith.cmpi slt, %jit3A, %sign3A_10 : i32
    %sign3A_12 = arith.extui %sign3A_11 : i1 to i32
    %sign3A_13 = arith.subi %sign3A_9, %sign3A_12 : i32
    %ne3A = arith.cmpi ne, %sign3A_6, %sign3A_13 : i32
    %rem3A = arith.remsi %add3A, %jit3A : i32
    %ne3A_14 = arith.constant 0 : i32
    %ne3A_15 = arith.cmpi ne, %rem3A, %ne3A_14 : i32
    %and3A = arith.andi %ne3A, %ne3A_15 : i1
    %sub3A = arith.constant 1 : i32
    %sub3A_16 = arith.subi %div3A, %sub3A : i32
    %select_n3A = arith.select %and3A, %sub3A_16, %div3A : i32
    %jit3A_17 = arith.constant 2 : i32
    %eq3A = arith.constant 0 : i32
    %eq3A_18 = arith.cmpi eq, %jit3A_17, %eq3A : i32
    %jit3A_19 = arith.constant 1 : i32
    %select_n3A_20 = arith.select %eq3A_18, %jit3A_19, %jit3A_17 : i32
    %rem3A_21 = arith.remsi %add3A, %select_n3A_20 : i32
    %ne3A_22 = arith.constant 0 : i32
    %ne3A_23 = arith.cmpi ne, %rem3A_21, %ne3A_22 : i32
    %lt3A = arith.constant 0 : i32
    %lt3A_24 = arith.cmpi slt, %rem3A_21, %lt3A : i32
    %lt3A_25 = arith.constant 0 : i32
    %lt3A_26 = arith.cmpi slt, %select_n3A_20, %lt3A_25 : i32
    %ne3A_27 = arith.xori %lt3A_24, %lt3A_26 : i1
    %and3A_28 = arith.andi %ne3A_27, %ne3A_23 : i1
    %add3A_29 = arith.addi %rem3A_21, %select_n3A_20 : i32
    %select_n3A_30 = arith.select %and3A_28, %add3A_29, %rem3A_21 : i32
    %mul3A_31 = arith.constant 8176 : i32
    %mul3A_32 = arith.muli %select_n3A, %mul3A_31 : i32
    "tpu.region"() ({
      %run_scoped3A = tpu.sem_alloc : memref<!tpu.dma_semaphore, #tpu.memory_space<semaphore_mem>>
      %dma_start3A = tpu.memref_slice %arg2[%mul3A_32] : memref<261632xf32, #tpu.memory_space<hbm>> -> memref<8176xf32, #tpu.memory_space<hbm>>
      %dma_start3A_71 = tpu.memref_slice %arg2[%mul3A_32] : memref<261632xf32, #tpu.memory_space<hbm>> -> memref<8176xf32, #tpu.memory_space<hbm>>
      tpu.enqueue_dma source(%dma_start3A_71 : memref<8176xf32, #tpu.memory_space<hbm>>) target(%arg4 : memref<8176xf32, #tpu.memory_space<vmem>>) target_semaphore(%run_scoped3A : memref<!tpu.dma_semaphore, #tpu.memory_space<semaphore_mem>>)
      %dma_wait3A = tpu.memref_slice %arg2[%mul3A_32] : memref<261632xf32, #tpu.memory_space<hbm>> -> memref<8176xf32, #tpu.memory_space<hbm>>
      %dma_wait3A_72 = tpu.memref_slice %arg2[%mul3A_32] : memref<261632xf32, #tpu.memory_space<hbm>> -> memref<8176xf32, #tpu.memory_space<hbm>>
      tpu.wait_dma2 semaphore(%run_scoped3A : memref<!tpu.dma_semaphore, #tpu.memory_space<semaphore_mem>>) src(%dma_wait3A_72 : memref<8176xf32, #tpu.memory_space<hbm>>) dst(%arg4 : memref<8176xf32, #tpu.memory_space<vmem>>)
      tpu.yield
    }) : () -> ()
    %add3A_33 = arith.constant 16 : i32
    %add3A_34 = arith.addi %add3A_33, %select_n3A : i32
    %mul3A_35 = arith.constant 8176 : i32
    %mul3A_36 = arith.muli %add3A_34, %mul3A_35 : i32
    "tpu.region"() ({
      %run_scoped3A = tpu.sem_alloc : memref<!tpu.dma_semaphore, #tpu.memory_space<semaphore_mem>>
      %dma_start3A = tpu.memref_slice %arg2[%mul3A_36] : memref<261632xf32, #tpu.memory_space<hbm>> -> memref<8176xf32, #tpu.memory_space<hbm>>
      %dma_start3A_71 = tpu.memref_slice %arg2[%mul3A_36] : memref<261632xf32, #tpu.memory_space<hbm>> -> memref<8176xf32, #tpu.memory_space<hbm>>
      tpu.enqueue_dma source(%dma_start3A_71 : memref<8176xf32, #tpu.memory_space<hbm>>) target(%arg5 : memref<8176xf32, #tpu.memory_space<vmem>>) target_semaphore(%run_scoped3A : memref<!tpu.dma_semaphore, #tpu.memory_space<semaphore_mem>>)
      %dma_wait3A = tpu.memref_slice %arg2[%mul3A_36] : memref<261632xf32, #tpu.memory_space<hbm>> -> memref<8176xf32, #tpu.memory_space<hbm>>
      %dma_wait3A_72 = tpu.memref_slice %arg2[%mul3A_36] : memref<261632xf32, #tpu.memory_space<hbm>> -> memref<8176xf32, #tpu.memory_space<hbm>>
      tpu.wait_dma2 semaphore(%run_scoped3A : memref<!tpu.dma_semaphore, #tpu.memory_space<semaphore_mem>>) src(%dma_wait3A_72 : memref<8176xf32, #tpu.memory_space<hbm>>) dst(%arg5 : memref<8176xf32, #tpu.memory_space<vmem>>)
      tpu.yield
    }) : () -> ()
    %get3A = arith.constant 8160 : index
    %get3A_37 = tpu.vector_load %arg4[%get3A] {strides = array<i32>} : memref<8176xf32, #tpu.memory_space<vmem>>, vector<16xf32>,
    %get3A_38 = arith.constant 8160 : index
    %get3A_39 = tpu.vector_load %arg5[%get3A_38] {strides = array<i32>} : memref<8176xf32, #tpu.memory_space<vmem>>, vector<16xf32>,
    %add3A_40 = arith.addf %get3A_37, %get3A_39 : vector<16xf32>
    %reduce_sum3A = arith.constant true
    %reduce_sum3A_41 = vector.broadcast %reduce_sum3A : i1 to vector<16xi1>
    %reduce_sum3A_42 = tpu.scan <sum>, %add3A_40 masked %reduce_sum3A_41 : vector<16xf32>, vector<16xi1> -> vector<16xf32>
    %reduce_sum3A_43 = vector.extract %reduce_sum3A_42[15] : f32 from vector<16xf32>
    %convert_element_type3A = arith.sitofp %select_n3A_30 : i32 to f32
    %sub3A_44 = arith.constant 1.000000e+00 : f32
    %sub3A_45 = arith.subf %sub3A_44, %convert_element_type3A : f32
    %mul3A_46 = arith.mulf %reduce_sum3A_43, %sub3A_45 : f32
    %sub3A_47 = arith.constant 2.621440e+05 : f32
    %sub3A_48 = arith.subf %sub3A_47, %reduce_sum3A_43 : f32
    %mul3A_49 = arith.mulf %sub3A_48, %convert_element_type3A : f32
    %add3A_50 = arith.addf %mul3A_46, %mul3A_49 : f32
    %sub3A_51 = arith.constant 1 : i32
    %sub3A_52 = arith.subi %sub3A_51, %select_n3A_30 : i32
    %mul3A_53 = arith.constant 4080 : i32
    %mul3A_54 = arith.muli %sub3A_52, %mul3A_53 : i32
    %mul3A_55 = arith.constant 4080 : i32
    %mul3A_56 = arith.muli %select_n3A_30, %mul3A_55 : i32
    %iota3A = tpu.iota {dimensions = array<i32: 0>} : vector<16xi32>
    %broadcast_in_dim3A = arith.constant 0.000000e+00 : f32
    %broadcast_in_dim3A_57 = vector.broadcast %broadcast_in_dim3A : f32 to vector<16xf32>
    %scan3A = arith.constant 0.000000e+00 : f32
    %scan3A_58 = arith.constant 0.000000e+00 : f32
    %scan3A_59 = arith.constant 0 : i32
    %scan3A_60 = arith.constant 255 : i32
    %scan3A_61 = arith.addi %scan3A_59, %scan3A_60 : i32
    %scan3A_62 = arith.constant 1 : i32
    %scan3A_63:3 = scf.for %scan3A_71 = %scan3A_59 to %scan3A_61 step %scan3A_62 iter_args(%scan3A_72 = %scan3A, %scan3A_73 = %scan3A_58, %scan3A_74 = %broadcast_in_dim3A_57) -> (f32, f32, vector<16xf32>)  : i32 {
      %sub3A_75 = arith.constant 254 : i32
      %sub3A_76 = arith.subi %sub3A_75, %scan3A_71 : i32
      %mul3A_77 = arith.constant 16 : i32
      %mul3A_78 = arith.muli %sub3A_76, %mul3A_77 : i32
      %add3A_79 = arith.addi %mul3A_54, %mul3A_78 : i32
      %get3A_80 = arith.index_cast %add3A_79 : i32 to index
      %get3A_81 = tpu.vector_load %arg4[%get3A_80] {strides = array<i32>} : memref<8176xf32, #tpu.memory_space<vmem>>, vector<16xf32>,
      %mul3A_82 = arith.constant 16 : i32
      %mul3A_83 = arith.muli %sub3A_76, %mul3A_82 : i32
      %add3A_84 = arith.addi %mul3A_54, %mul3A_83 : i32
      %get3A_85 = arith.index_cast %add3A_84 : i32 to index
      %get3A_86 = tpu.vector_load %arg5[%get3A_85] {strides = array<i32>} : memref<8176xf32, #tpu.memory_space<vmem>>, vector<16xf32>,
      %add3A_87 = arith.addf %get3A_81, %get3A_86 : vector<16xf32>
      %mul3A_88 = arith.constant 16 : i32
      %mul3A_89 = arith.muli %sub3A_76, %mul3A_88 : i32
      %add3A_90 = arith.addi %mul3A_56, %mul3A_89 : i32
      %get3A_91 = arith.index_cast %add3A_90 : i32 to index
      %get3A_92 = tpu.vector_load %arg4[%get3A_91] {strides = array<i32>} : memref<8176xf32, #tpu.memory_space<vmem>>, vector<16xf32>,
      %mul3A_93 = arith.constant 16 : i32
      %mul3A_94 = arith.muli %sub3A_76, %mul3A_93 : i32
      %add3A_95 = arith.addi %mul3A_56, %mul3A_94 : i32
      %get3A_96 = arith.index_cast %add3A_95 : i32 to index
      %get3A_97 = tpu.vector_load %arg5[%get3A_96] {strides = array<i32>} : memref<8176xf32, #tpu.memory_space<vmem>>, vector<16xf32>,
      %add3A_98 = arith.addf %get3A_92, %get3A_97 : vector<16xf32>
      %broadcast_in_dim3A_99 = arith.constant true
      %broadcast_in_dim3A_100 = vector.broadcast %broadcast_in_dim3A_99 : i1 to vector<16xi1>
      %masked_cumsum3A = tpu.scan <sum>, %add3A_87 masked %broadcast_in_dim3A_100 : vector<16xf32>, vector<16xi1> -> vector<16xf32>
      %broadcast_in_dim3A_101 = arith.constant true
      %broadcast_in_dim3A_102 = vector.broadcast %broadcast_in_dim3A_101 : i1 to vector<16xi1>
      %masked_cumsum3A_103 = tpu.scan <sum>, %add3A_98 masked %broadcast_in_dim3A_102 : vector<16xf32>, vector<16xi1> -> vector<16xf32>
      %reduce_sum3A_104 = arith.constant true
      %reduce_sum3A_105 = vector.broadcast %reduce_sum3A_104 : i1 to vector<16xi1>
      %reduce_sum3A_106 = tpu.scan <sum>, %add3A_87 masked %reduce_sum3A_105 : vector<16xf32>, vector<16xi1> -> vector<16xf32>
      %reduce_sum3A_107 = vector.extract %reduce_sum3A_106[15] : f32 from vector<16xf32>
      %reduce_sum3A_108 = arith.constant true
      %reduce_sum3A_109 = vector.broadcast %reduce_sum3A_108 : i1 to vector<16xi1>
      %reduce_sum3A_110 = tpu.scan <sum>, %add3A_98 masked %reduce_sum3A_109 : vector<16xf32>, vector<16xi1> -> vector<16xf32>
      %reduce_sum3A_111 = vector.extract %reduce_sum3A_110[15] : f32 from vector<16xf32>
      %sub3A_112 = vector.broadcast %reduce_sum3A_107 : f32 to vector<16xf32>
      %sub3A_113 = arith.subf %sub3A_112, %masked_cumsum3A : vector<16xf32>
      %add3A_114 = vector.broadcast %scan3A_72 : f32 to vector<16xf32>
      %add3A_115 = arith.addf %add3A_114, %sub3A_113 : vector<16xf32>
      %sub3A_116 = vector.broadcast %reduce_sum3A_111 : f32 to vector<16xf32>
      %sub3A_117 = arith.subf %sub3A_116, %masked_cumsum3A_103 : vector<16xf32>
      %add3A_118 = vector.broadcast %scan3A_73 : f32 to vector<16xf32>
      %add3A_119 = arith.addf %add3A_118, %sub3A_117 : vector<16xf32>
      %sub3A_120 = vector.broadcast %add3A_50 : f32 to vector<16xf32>
      %sub3A_121 = arith.subf %sub3A_120, %add3A_115 : vector<16xf32>
      %add3A_122 = vector.broadcast %add3A_50 : f32 to vector<16xf32>
      %add3A_123 = arith.addf %add3A_122, %add3A_119 : vector<16xf32>
      %max3A = arith.constant 1.000000e+00 : f32
      %max3A_124 = vector.broadcast %max3A : f32 to vector<16xf32>
      %max3A_125 = arith.maximumf %add3A_123, %max3A_124 : vector<16xf32>
      %div3A_126 = arith.divf %sub3A_121, %max3A_125 : vector<16xf32>
      %sub3A_127 = arith.constant 1.000000e+00 : f32
      %sub3A_128 = vector.broadcast %sub3A_127 : f32 to vector<16xf32>
      %sub3A_129 = arith.subf %sub3A_128, %div3A_126 : vector<16xf32>
      %sub3A_130 = arith.subf %sub3A_121, %add3A_87 : vector<16xf32>
      %add3A_131 = vector.broadcast %add3A_50 : f32 to vector<16xf32>
      %add3A_132 = arith.addf %add3A_131, %add3A_119 : vector<16xf32>
      %add3A_133 = arith.addf %add3A_132, %add3A_98 : vector<16xf32>
      %max3A_134 = arith.constant 1.000000e+00 : f32
      %max3A_135 = vector.broadcast %max3A_134 : f32 to vector<16xf32>
      %max3A_136 = arith.maximumf %add3A_133, %max3A_135 : vector<16xf32>
      %div3A_137 = arith.divf %sub3A_130, %max3A_136 : vector<16xf32>
      %sub3A_138 = arith.constant 1.000000e+00 : f32
      %sub3A_139 = vector.broadcast %sub3A_138 : f32 to vector<16xf32>
      %sub3A_140 = arith.subf %sub3A_139, %div3A_137 : vector<16xf32>
      %mul3A_141 = arith.constant 16 : i32
      %mul3A_142 = arith.muli %sub3A_76, %mul3A_141 : i32
      %add3A_143 = vector.broadcast %mul3A_142 : i32 to vector<16xi32>
      %add3A_144 = arith.addi %add3A_143, %iota3A : vector<16xi32>
      %shift_left3A = arith.constant 19 : i32
      %shift_left3A_145 = vector.broadcast %shift_left3A : i32 to vector<16xi32>
      %shift_left3A_146 = arith.shli %add3A_144, %shift_left3A_145 : vector<16xi32>
      %add3A_147 = arith.constant 262144 : i32
      %add3A_148 = vector.broadcast %add3A_147 : i32 to vector<16xi32>
      %add3A_149 = arith.addi %shift_left3A_146, %add3A_148 : vector<16xi32>
      %bitcast_convert_type3A = tpu.bitcast %add3A_149 : vector<16xi32> -> vector<16xf32>
      %add3A_150 = arith.addf %scan3A_72, %reduce_sum3A_107 : f32
      %add3A_151 = arith.addf %scan3A_73, %reduce_sum3A_111 : f32
      %sub3A_152 = arith.subf %sub3A_140, %sub3A_129 : vector<16xf32>
      %mul3A_153 = arith.mulf %bitcast_convert_type3A, %sub3A_152 : vector<16xf32>
      %add3A_154 = arith.addf %scan3A_74, %mul3A_153 : vector<16xf32>
      scf.yield %add3A_150, %add3A_151, %add3A_154 : f32, f32, vector<16xf32>
    }
    %scan3A_64 = arith.constant 255 : i32
    %swap3A = arith.constant 0 : index
    %swap3A_65 = tpu.vector_load %arg6[%swap3A] {strides = array<i32>} : memref<16xf32, #tpu.memory_space<vmem>>, vector<16xf32>,
    tpu.vector_store %arg6[%swap3A], %scan3A_63#2 {strides = array<i32>} : memref<16xf32, #tpu.memory_space<vmem>>, vector<16xf32>,
    %mul3A_66 = arith.constant 16 : i32
    %mul3A_67 = arith.muli %select_n3A_30, %mul3A_66 : i32
    %add3A_68 = arith.addi %mul3A_67, %select_n3A : i32
    %mul3A_69 = arith.constant 16 : i32
    %mul3A_70 = arith.muli %add3A_68, %mul3A_69 : i32
    "tpu.region"() ({
      %run_scoped3A = tpu.sem_alloc : memref<!tpu.dma_semaphore, #tpu.memory_space<semaphore_mem>>
      %dma_start3A = tpu.memref_slice %arg3[%mul3A_70] : memref<512xf32, #tpu.memory_space<hbm>> -> memref<16xf32, #tpu.memory_space<hbm>>
      %dma_start3A_71 = tpu.memref_slice %arg3[%mul3A_70] : memref<512xf32, #tpu.memory_space<hbm>> -> memref<16xf32, #tpu.memory_space<hbm>>
      tpu.enqueue_dma source(%arg6 : memref<16xf32, #tpu.memory_space<vmem>>) target(%dma_start3A_71 : memref<16xf32, #tpu.memory_space<hbm>>) target_semaphore(%run_scoped3A : memref<!tpu.dma_semaphore, #tpu.memory_space<semaphore_mem>>)
      %dma_wait3A = tpu.memref_slice %arg3[%mul3A_70] : memref<512xf32, #tpu.memory_space<hbm>> -> memref<16xf32, #tpu.memory_space<hbm>>
      %dma_wait3A_72 = tpu.memref_slice %arg3[%mul3A_70] : memref<512xf32, #tpu.memory_space<hbm>> -> memref<16xf32, #tpu.memory_space<hbm>>
      tpu.wait_dma2 semaphore(%run_scoped3A : memref<!tpu.dma_semaphore, #tpu.memory_space<semaphore_mem>>) src(%arg6 : memref<16xf32, #tpu.memory_space<vmem>>) dst(%dma_wait3A_72 : memref<16xf32, #tpu.memory_space<hbm>>)
      tpu.yield
    }) : () -> ()
    return
  }
}

module attributes {stable_mosaic.version = 14 : i64} {
  func.func @_phase3_body(%arg0: memref<32x16xf32, #tpu.memory_space<vmem>>, %arg1: memref<1x1xf32, #tpu.memory_space<vmem>>) attributes {dimension_semantics = [], scalar_prefetch = 0 : i64, scratch_operands = 0 : i64, tpu.core_type = #tpu.core_type<tc>} {
    %get3A = arith.constant 0 : index
    %get3A_0 = arith.constant 0 : index
    %get3A_1 = vector.load %arg0[%get3A, %get3A_0] : memref<32x16xf32, #tpu.memory_space<vmem>>, vector<32x16xf32>
    %reduce_sum3A = vector.shape_cast %get3A_1 : vector<32x16xf32> to vector<1x32x16xf32>
    %reduce_sum3A_2 = arith.constant dense<0.000000e+00> : vector<1xf32>
    %reduce_sum3A_3 = vector.multi_reduction <add>, %reduce_sum3A, %reduce_sum3A_2 [1, 2] : vector<1x32x16xf32> to vector<1xf32>
    %reduce_sum3A_4 = vector.shape_cast %reduce_sum3A_3 : vector<1xf32> to vector<1x1x1xf32>
    %reduce_sum3A_5 = vector.extract %reduce_sum3A_4[0, 0, 0] : f32 from vector<1x1x1xf32>
    %mul3A = arith.constant 3.125000e-02 : f32
    %mul3A_6 = arith.mulf %reduce_sum3A_5, %mul3A : f32
    %broadcast_in_dim3A = vector.broadcast %mul3A_6 : f32 to vector<1x1xf32>
    %swap3A = arith.constant 0 : index
    %swap3A_7 = arith.constant 0 : index
    %swap3A_8 = vector.load %arg1[%swap3A, %swap3A_7] : memref<1x1xf32, #tpu.memory_space<vmem>>, vector<1x1xf32>
    tpu.vector_store %arg1[%swap3A, %swap3A_7], %broadcast_in_dim3A {strides = array<i32>} : memref<1x1xf32, #tpu.memory_space<vmem>>, vector<1x1xf32>,
    return
  }
}

</mosaic_0001>

<sc_bundles>
// kernel: kernel.5.cloned.1.call-start
scs
__scs_entry_jumppad:
0x0: {  	(pc) =	sbr.rel $0x88, $3  }
0x1: {  	(tag) =	ssettag $0x0;
	lr =	simm.s32 $0x1  }
0x2: {  	[smem:$0x3F9F] =	sst lr;
	_ =	strace $0xD0000000  }
0x3: {  	_ = 	snop  }
0x4: {  	_ = 	snop  }
0x5: {  	_ = 	snop  }
0x6: {  	_ = 	snop  }
0x7: {  	_ = 	snop  }
__scs_overlays_trampoline_lowered:
0x8: {  	[smem:$0x3FAE] =	sst s0  }
0x9: {  	[smem:$0x3FAF] =	sst s1  }
0xa: {  	[smem:$0x3FB0] =	sst s2  }
0xb: {  	[smem:$0x3FB1] =	sst s3  }
0xc: {  	[smem:$0x3FB2] =	sst s4  }
0xd: {  	[smem:$0x3FB3] =	sst s5  }
0xe: {  	[smem:$0x3FB4] =	sst s6  }
0xf: {  	[smem:$0x3FB5] =	sst s7  }
0x10: {  	[smem:$0x3FB6] =	sst s8  }
0x11: {  	[smem:$0x3FB7] =	sst s9;
	s0 =	simm.s32 @!p0 $0x0  }
0x12: {  	s1 =	sld [smem:$0x3F9D];
	s0 =	simm.s32 @p0 $0x1  }
0x13: {  	[smem:$0x3FB8] =	sst s0;
	s0 =	simm.s32 @!p1 $0x0  }
0x14: {  	s2 =	sld [smem:$0x3F9C];
	s0 =	simm.s32 @p1 $0x1  }
0x15: {  	[smem:$0x3FB9] =	sst s0;
	s0 =	simm.s32 @!p2 $0x0  }
0x16: {  	s3 =	sld [smem:$0x3FDB];
	s0 =	simm.s32 @p2 $0x1  }
0x17: {  	s4 =	simm.s32 $0x1BF5;
	[smem:$0x3FBB] =	sst s0  }
0x18: {  	s0 =	sld [smem:$0x3F9E];
	_ =	swait.ge [sflag:s4], $0x0  }
0x19: {  	s7 =	sld [smem:$0x3F9F]  }
0x1a: {  	s8 =	sadd.s32 $0xFFFFE003, lr  }
0x1b: {  	s9 =	sadd.s32 $0xFFFFFEF7, lr;
	s5 =	simm.s32 $0xFFFFFFFF;
	p2 =	slt.u32 s8, $0xFFFFF086  }
0x1c: {  	p1 =	slt.u32 s9, $0xF7A;
	s5 =	simm.s32 @!p2 $0x0  }
0x1d: {  	s5 =	simm.s32 @p1 $0x1;
	p0 =	seq.s32 s7, s2  }
0x1e: {  	s7 =	smul.u32 @!p0 $0xF7A, s2;
	p2 =	seq.s32 @!p0 s5, $0x0  }
0x1f: {  	s9 =	smul.u32 $0xF7A, s1;
	s8 =	simm.s32 @!p0 $0x1BF5;
	p2 =	por !p2, p0  }
0x20: {  	[sflag:s8] =	ssyncset.s32 @!p0 $0xFFFFF086;
	s6 =	sadd.s32 @!p0 s3, s7;
	s7 =	simm.s32 @!p0 $0x108  }
0x21: {  	s3 =	sadd.s32 s3, s9;
	s6 =	sadd.s32 @!p0 $0x88, s6;
	s7 =	simm.s32 @p2 $0x1082  }
0x22: {  	[simem:s7], [sflag:s8] =	dma.local @!p0 [hbm:s6], $0xF7A  }
0x23: {  	s9 =	sor.u32 $0xD0000000, s2;
	s6 =	simm.s32 $0x108;
	_ =	swait.ge @!p0 [sflag:s8], $0x0  }
0x24: {  	s3 =	sadd.s32 $0x88, s3;
	s6 =	simm.s32 @!p1 $0x1082;
	[sflag:s4] =	ssyncset.s32 $0xFFFFF086  }
0x25: {  	[simem:s6], [sflag:s4] =	dma.local [hbm:s3], $0xF7A  }
0x26: {  	[smem:$0x3F9F] =	sst s1;
	(tag) =	ssettag s2;
	_ =	strace s9  }
0x27: {  	s1 =	sld [smem:$0x3FAF]  }
0x28: {  	s2 =	sld [smem:$0x3FB0]  }
0x29: {  	s4 =	sld [smem:$0x3FB2]  }
0x2a: {  	p0 =	seq.s32 s5, $0x0;
	s5 =	sld [smem:$0x3FB3]  }
0x2b: {  	s6 =	sld [smem:$0x3FB4]  }
0x2c: {  	s7 =	sld [smem:$0x3FB5]  }
0x2d: {  	s3 =	simm.s32 $0x108;
	s8 =	sld [smem:$0x3FB6]  }
0x2e: {  	s3 =	simm.s32 @!p0 $0x1082;
	s9 =	sld [smem:$0x3FB7]  }
0x2f: {  	lr =	sadd.s32 s0, s3;
	s0 =	sld [smem:$0x3FAE]  }
0x30: {  	s3 =	sld [smem:$0x3FB1]  }
0x31: {  	[smem:$0x3FBA] =	sst s10  }
0x32: {  	s10 =	sld [smem:$0x3FB8];
	_ =	sdelay $0x3  }
0x33: {  	p0 =	seq.s32 s10, $0x1;
	s10 =	sld [smem:$0x3FBA];
	_ =	sdelay $0x3  }
0x34: {  	[smem:$0x3FBA] =	sst s10  }
0x35: {  	s10 =	sld [smem:$0x3FB9];
	_ =	sdelay $0x3  }
0x36: {  	p1 =	seq.s32 s10, $0x1;
	s10 =	sld [smem:$0x3FBA];
	_ =	sdelay $0x3  }
0x37: {  	[smem:$0x3FBA] =	sst s10  }
0x38: {  	s10 =	sld [smem:$0x3FBB]  }
0x39: {  	_ = 	snop;
	(pc) =	sbr.ind lr, $3  }
0x3a: {  	_ = 	snop  }
0x3b: {  	_ = 	snop  }
0x3c: {  	p2 =	seq.s32 s10, $0x1;
	s10 =	sld [smem:$0x3FBA]  }
0x3d: {  	_ =	shalt  }
0x3e: {  	_ =	shalt  }
0x3f: {  	_ =	shalt  }
0x40: {  	_ =	shalt  }
0x41: {  	_ =	shalt  }
0x42: {  	_ =	shalt  }
0x43: {  	_ =	shalt  }
0x44: {  	_ =	shalt  }
0x45: {  	_ =	shalt  }
0x46: {  	_ =	shalt  }
0x47: {  	_ =	shalt  }
0x48: {  	_ =	shalt  }
0x49: {  	_ =	shalt  }
0x4a: {  	_ =	shalt  }
0x4b: {  	_ =	shalt  }
0x4c: {  	_ =	shalt  }
0x4d: {  	_ =	shalt  }
0x4e: {  	_ =	shalt  }
0x4f: {  	_ =	shalt  }
0x50: {  	_ =	shalt  }
0x51: {  	_ =	shalt  }
0x52: {  	_ =	shalt  }
0x53: {  	_ =	shalt  }
0x54: {  	_ =	shalt  }
0x55: {  	_ =	shalt  }
0x56: {  	_ =	shalt  }
0x57: {  	_ =	shalt  }
0x58: {  	_ =	shalt  }
0x59: {  	_ =	shalt  }
0x5a: {  	_ =	shalt  }
0x5b: {  	_ =	shalt  }
0x5c: {  	_ =	shalt  }
0x5d: {  	_ =	shalt  }
0x5e: {  	_ =	shalt  }
0x5f: {  	_ =	shalt  }
0x60: {  	_ =	shalt  }
0x61: {  	_ =	shalt  }
0x62: {  	_ =	shalt  }
0x63: {  	_ =	shalt  }
0x64: {  	_ =	shalt  }
0x65: {  	_ =	shalt  }
0x66: {  	_ =	shalt  }
0x67: {  	_ =	shalt  }
0x68: {  	_ =	shalt  }
0x69: {  	_ =	shalt  }
0x6a: {  	_ =	shalt  }
0x6b: {  	_ =	shalt  }
0x6c: {  	_ =	shalt  }
0x6d: {  	_ =	shalt  }
0x6e: {  	_ =	shalt  }
0x6f: {  	_ =	shalt  }
0x70: {  	_ =	shalt  }
0x71: {  	_ =	shalt  }
0x72: {  	_ =	shalt  }
0x73: {  	_ =	shalt  }
0x74: {  	_ =	shalt  }
0x75: {  	_ =	shalt  }
0x76: {  	_ =	shalt  }
0x77: {  	_ =	shalt  }
0x78: {  	_ =	shalt  }
0x79: {  	_ =	shalt  }
0x7a: {  	_ =	shalt  }
0x7b: {  	_ =	shalt  }
0x7c: {  	_ =	shalt  }
0x7d: {  	_ =	shalt  }
0x7e: {  	_ =	shalt  }
0x7f: {  	_ =	shalt  }
0x80: {  	_ =	shalt  }
0x81: {  	_ =	shalt  }
0x82: {  	_ =	shalt  }
0x83: {  	_ =	shalt  }
0x84: {  	_ =	shalt  }
0x85: {  	_ =	shalt  }
0x86: {  	_ =	shalt  }
0x87: {  	_ =	shalt  }
.Lfunc_end0:
.L_simem_size_0:
called_computation_lowered:
.L_overlay_start_0:
0x88: {  	s2 =	sld [smem:$0x3FD9]  }
0x89: {  	s3 =	sld [smem:$0x3FFE];
	_ =	sdelay $0x1  }
0x8a: {  	s1 =	srdreg.scid  }
0x8b: {  	s0 =	sand.u32 $0x1, s1  }
0x8c: {  	s17 =	sshll.u32 s0, $0xA;
	s2 =	sadd.s32 s3, s2  }
0x8d: {  	s2 =	sadd.s32 s2, s17  }
0x8e: {  	[smem:$0x3FC6] =	sst s2  }
0x8f: {  	_ = 	snop  }
0x90: {  	s2 =	sld [smem:$0x3FC9]  }
0x91: {  	s18 =	sld [smem:$0x3FC8];
	(tm) =	ssettm $0x1  }
0x92: {  	s4 =	sld [smem:$0x3FFB];
	_ =	sdelay $0x3  }
0x93: {  	_ =	strace s4  }
0x94: {  	s4 =	sld [smem:$0x3FFC];
	_ =	sdelay $0x3  }
0x95: {  	_ =	strace s4  }
0x96: {  	s4 =	sld [smem:$0x3FFD];
	_ =	sdelay $0x3  }
0x97: {  	_ =	strace s4  }
0x98: {  	_ =	strace $0x8FFFFFFF  }
0x99: {  	s19 =	sld [smem:$0x3FDB];
	_ =	sdelay $0x1  }
0x9a: {  	s5 =	simm.s32 $_scs_section_size  }
0x9b: {  	s6 =	simm.s32 $_size__tile_overlayer_lowered;
	s7 =	simm.s32 $_tile_overlayer_lowered  }
0x9c: {  	s22 =	simm.s32 $0x1BFF;
	s21 =	sshll.u32 s7, $0x1;
	s4 =	sadd.s32 s5, s19  }
0x9d: {  	s8 =	simm.s32 $0x0;
	s20 =	sshll.u32 s6, $0x1;
	s6 =	sadd.s32 s21, s4  }
0x9e: {  	[timem:s8], [sflag:s22] =	dma.local [hbm:s6], s20  }
0x9f: {  	_ =	swait.ge [sflag:s22], s20  }
0xa0: {  	s5 =	ssub.s32 $0x0, s20;
	[sflag:s22] =	ssyncset.done $0x0  }
0xa1: {  	[sflag:s22] =	ssyncadd.s32 s5;
	_ =	sdelay $0x1  }
0xa2: {  	s23 =	simm.s32 $0x1B8B  }
0xa3: {  	_ =	swait.ge [sflag:s23], $0x1  }
0xa4: {  	[sflag:s23] =	ssyncset.done $0x0  }
0xa5: {  	s25 =	simm.s32 $0x1B8E;
	s24 =	sld [smem:$0x3FFE];
	[sflag:s23] =	ssyncadd.s32 $0xFFFFFFFF  }
0xa6: {  	s26 =	simm.s32 $execute0_lowered;
	[smem:$0x3FD2] =	sst s25  }
0xa7: {  	s6 =	sshll.u32 s26, $0x1;
	_ =	strace $0x80000046;
	[dreg:$0x1] =	wrdreg $0xFFFFFFFF  }
0xa8: {  	s28 =	simm.s32 $_size_execute0_lowered;
	s4 =	sadd.s32 s4, s6;
	[dreg:$0x0] =	wrdreg $0x0  }
0xa9: {  	s6 =	sshll.u32 s28, $0x1;
	[dreg:$0x2] =	wrdreg s4  }
0xaa: {  	[dreg:$0x3] =	wrdreg s6  }
0xab: {  	[dreg:$0x4] =	wrdreg $0xC0  }
0xac: {  	_ =	task [dreg:s8], $0x5FFFF  }
0xad: {  	[dreg:$0x1] =	wrdreg $0xFFFFFFFF  }
0xae: {  	[dreg:$0x0] =	wrdreg $0x60  }
0xaf: {  	[dreg:$0x2] =	wrdreg s2  }
0xb0: {  	[dreg:$0x3] =	wrdreg s18  }
0xb1: {  	[dreg:$0x4] =	wrdreg s24  }
0xb2: {  	[dreg:$0x5] =	wrdreg $0x9  }
0xb3: {  	_ =	task.clear_ibuf [dreg:s8], $0x6FFFF;
	_ =	strace $0x90000046  }
0xb4: {  	s29 =	simm.s32 $0x9;
	_ =	strace $0x80000048  }
0xb5: {  	_ =	swait.ge [sflag:s29], $0x1  }
0xb6: {  	[sflag:s29] =	ssyncadd.s32 $0xFFFFFFFF  }
0xb7: {  	_ =	strace $0x90000048  }
0xb8: {  	_ =	sfence  }
0xb9: {  	s30 =	sld [smem:$0x0];
	_ =	sdelay $0x2  }
0xba: {  	s31 =	sshll.u32 s1, $0xD;
	s1 =	sshrl.u32 s1, $0x2  }
0xbb: {  	s3 =	sand.u32 $0x4000, s31;
	s1 =	sadd.s32 s1, s30  }
0xbc: {  	s0 =	sor.u32 s3, s0;
	s1 =	sshll.u32 s1, $0x11  }
0xbd: {  	s0 =	sor.u32 s1, s0  }
0xbe: {  	s0 =	sadd.s32 $0x8F2B, s0  }
0xbf: {  	[sflag:s0] =	ssyncadd.remote.s32 $0x1  }
0xc0: {  	_ =	sfence.sel $0xFFFF  }
0xc1: {  	[dreg:$0x0] =	wrdreg $0xFFFFFFFF;
	(pc) =	sbr.abs _section_cstart, $3  }
0xc2: {  	[dreg:$0x1] =	wrdreg $0xFFFFFFFF  }
0xc3: {  	_ =	task.clear_ibuf [dreg:s8], $0x2FFFF;
	_ =	strace $0x9FFFFFFF  }
0xc4: {  	(tm) =	ssettm $0x7FFFFFFF  }
0xc5: {  	_ =	shalt  }
tec
execute0_lowered:
.L_overlay_start_1:
0x0: {  	(tag) =	ssettag $0x1  }
0x1: {  	s1 =	srdreg.scid  }
0x2: {  	s0 =	stileid.u32;
	s2 =	rddreg [dreg:$0x1];
	s5 =	simm.s32 $0x1  }
0x3: {  	s8 =	rddreg [dreg:$0x2];
	s4 =	simm.s32 $0x0;
	s12 =	simm.s32 $0x4000  }
0x4: {  	s13 =	simm.s32 $0x2;
	s6 =	sand.u32 $0x1, s1;
	s30 =	sshll.u32 s0, $0x1  }
0x5: {  	s14 =	simm.s32 $0x2000;
	s15 =	simm.s32 $0x6000;
	s7 =	sor.u32 s6, s30  }
0x6: {  	s16 =	simm.s32 $0x8000;
	p1 =	seq.s32 s6, $0x1;
	p0 =	seq.s32 s7, $0x0  }
0x7: {  	s17 =	simm.s32 $0x18080;
	s18 =	simm.s32 $0x3;
	p0 =	por !p0, !p1  }
0x8: {  	s19 =	simm.s32 $0x0;
	s3 =	sshll.u32 s6, $0x4;
	p0 =	por !p0, !p0  }
0x9: {  	s1 =	rddreg [dreg:$0x0];
	s9 =	sor.u32 s0, s3;
	s5 =	simm.s32 @!p0 $0x0  }
0xa: {  	vm0 =	vcmask $0x3F20;
	[smem:$0x7FF] =	sst s4;
	s6 =	ssub.s32 $0x2, s6;
	s5 =	ssub.s32 s9, s5  }
0xb: {  	v0 =	vlaneseq.u32;
	s3 =	rddreg [dreg:$0x3];
	s31 =	sshrl.u32 s6, $0x1;
	s9 =	smul.u32 $0x1FF0, s5  }
0xc: {  	v0 =	vand.u32 $0x7, v0;
	_ =	strace $0x80000047;
	s11 =	sshll.u32 s7, $0xE;
	s10 =	ssub.s32 s6, s31  }
0xd: {  	v0 =	vmul.u32 $0x2001, v0;
	s6 =	sadd.s32 s1, s11;
	s7 =	sadd.s32 s2, s11;
	s9 =	sshrl.u32 s9, $0x3  }
0xe: {  	s10 =	smax.u32 s10, $0x1;
	s5 =	simm.s32 $0x1;
	s9 =	sadd.s32 s9, s8  }
0xf: {  	v1 =	vimm.f32 $0.0e+00;
	v2 =	vimm.f32 $1.000000000e+00;
	v3 =	vadd.s32 $0x1FF0, v0;
	s8 =	sor.u32 $0x800, s11;
	s11 =	sor.u32 $0x400, s11;
	s9 =	sadd.s32 $0x800, s9  }
.LBB2_1:
0x10: {  	[tilespmem:s4], [sflag:$0x1] =	stream.linear.gather [hbm4b:s6+s4], $0x2000, $0x38;
	[tilespmem:$0x1A080] =	vst v63  }
0x11: {  	s20 =	simm.s32 $0x8040  }
0x12: {  	[tilespmem:s12], [sflag:$0x2] =	stream.linear.gather [hbm4b:s7+s4], $0x2000, $0x38;
	[tilespmem:$0x1A080] =	vst v63  }
0x13: {  	[tilespmem:s20+$0xFFFFFFC0] =	vst v1  }
0x14: {  	[tilespmem:s20+$0x30] =	vst v1  }
0x15: {  	[tilespmem:s20+$0x20] =	vst v1  }
0x16: {  	[tilespmem:s20+$0x10] =	vst v1  }
0x17: {  	[tilespmem:s20+$0x0] =	vst v1  }
0x18: {  	[tilespmem:s20+$0xFFFFFFF0] =	vst v1  }
0x19: {  	s21 =	simm.s32 $0x0;
	[tilespmem:s20+$0xFFFFFFE0] =	vst v1  }
.LBB2_2:
0x1a: {  	s21 =	sadd.s32 $0x8, s21;
	[tilespmem:s20+$0xFFFFFFD0] =	vst v1;
	s20 =	sadd.s32 $0x80, s20  }
0x1b: {  	[tilespmem:s20+$0xFFFFFFC0] =	vst v1;
	p0 =	slt.u32 s21, $0xFF8  }
0x1c: {  	[tilespmem:s20+$0x30] =	vst v1  }
.Ltmp0:
0x1d: {  	[tilespmem:s20+$0x20] =	vst v1;
	(pc) =	sbr.rel @p0 .LBB2_2-.Ltmp0, $4  }
0x1e: {  	[tilespmem:s20+$0x10] =	vst v1  }
0x1f: {  	[tilespmem:s20+$0x0] =	vst v1  }
0x20: {  	[tilespmem:s20+$0xFFFFFFF0] =	vst v1  }
0x21: {  	[tilespmem:s20+$0xFFFFFFE0] =	vst v1  }
0x22: {  	[tilespmem:s20+$0xFFFFFFD0] =	vst v1  }
0x23: {  	s20 =	simm.s32 $0x0;
	v4 =	vimm.s32 $0x0;
	s21 =	simm.s32 $0x0;
	[tilespmem:$0x18000] =	vst v1  }
.LBB2_4:
0x24: {  	_ =	swait.ge [sflag:s5], $0x2000  }
0x25: {  	[sflag:s5] =	ssyncset.done $0x0  }
0x26: {  	[sflag:s5] =	ssyncadd.s32 $0xFFFFE000  }
0x27: {  	s22 =	sshll.u32 s21, $0xB;
	_ =	swait.ge [sflag:s13], $0x2000  }
0x28: {  	s23 =	sor.u32 s11, s22;
	[sflag:s13] =	ssyncset.done $0x0  }
0x29: {  	s24 =	sadd.s32 s1, s23;
	[sflag:s13] =	ssyncadd.s32 $0xFFFFE000  }
0x2a: {  	[tilespmem:s14], [sflag:$0x1] =	stream.linear.gather [hbm4b:s24+s20], $0x2000, $0x38;
	[tilespmem:$0x1A080] =	vst v63  }
0x2b: {  	s25 =	sand.u32 $0x1000, s20;
	s26 =	sand.u32 $0xC00, s20;
	s23 =	sadd.s32 s2, s23  }
0x2c: {  	[tilespmem:s15], [sflag:$0x2] =	stream.linear.gather [hbm4b:s23+s20], $0x2000, $0x38;
	[tilespmem:$0x1A080] =	vst v63  }
0x2d: {  	s29 =	sand.u32 $0x380, s20;
	s23 =	sor.u32 s26, s25  }
0x2e: {  	s24 =	sor.u32 s29, s23  }
0x2f: {  	v7 =	vld [tilespmem:s24+$0x40]  }
0x30: {  	v5 =	vld [tilespmem:s24+$0x50]  }
0x31: {  	v9 =	vld [tilespmem:s24+$0x4060]  }
0x32: {  	v10 =	vld [tilespmem:s24+$0x4050]  }
0x33: {  	v6 =	vld [tilespmem:s24+$0x10]  }
0x34: {  	v8 =	vld [tilespmem:s24+$0x4010]  }
0x35: {  	v11 =	vld [tilespmem:s24+$0x4000]  }
0x36: {  	v14 =	vld [tilespmem:s24+$0x4030]  }
0x37: {  	v12 =	vld [tilespmem:s24+$0x0]  }
0x38: {  	s30 =	simm.s32 $0x400;
	s25 =	simm.s32 $0x80;
	v20 =	vld [tilespmem:s24+$0x30]  }
0x39: {  	s26 =	simm.s32 $0x20;
	s25 =	sand.u32 $0x1000, s25;
	s23 =	sand.u32 $0xC00, s30;
	v15 =	vld [tilespmem:s24+$0x4070];
	v13 =	vshll.u32 v10, $0x1F;
	v16 =	vshll.u32 v8, $0x1F  }
0x3a: {  	s31 =	sand.u32 $0x380, s26;
	v18 =	vld [tilespmem:s24+$0x60];
	s23 =	sor.u32 s23, s25;
	v17 =	vshll.u32 v8, $0xC;
	v19 =	vshll.u32 v9, $0x1F;
	v21 =	vshll.u32 v10, $0xC  }
0x3b: {  	v23 =	vld [tilespmem:s24+$0x4040];
	s23 =	sor.u32 s31, s23;
	v4 =	vadd.s32 v4, v11;
	v24 =	vshll.u32 v14, $0x1F;
	v5 =	vxor.u32 v5, v13  }
0x3c: {  	v26 =	vld [tilespmem:s23+$0x50];
	v6 =	vxor.u32 v6, v16;
	v16 =	vshll.u32 v11, $0x1F;
	v5 =	vadd.f32 $1.000000000e+00, v5  }
0x3d: {  	v29 =	vshll.u32 v9, $0xC;
	v13 =	vld [tilespmem:s24+$0x70];
	v20 =	vxor.u32 v20, v24;
	v12 =	vxor.u32 v12, v16  }
0x3e: {  	v28 =	vld [tilespmem:s23+$0x10];
	v6 =	vadd.f32 $1.000000000e+00, v6;
	v12 =	vadd.f32 $1.000000000e+00, v12;
	v22 =	vshra.s32 v5, $0x13  }
0x3f: {  	v31 =	vld [tilespmem:s23+$0x4010];
	v20 =	vadd.f32 $1.000000000e+00, v20;
	vm1 =	vgt.s32 v5, $0x0;
	v16 =	vor.u32 v21, v22  }
0x40: {  	v32 =	vld [tilespmem:s23+$0x0];
	v22 =	vadd.s32 v8, v4;
	v4 =	vshll.u32 v11, $0xC;
	v11 =	vshra.s32 v12, $0x13  }
0x41: {  	v5 =	vshll.u32 v15, $0x1F;
	v21 =	vld [tilespmem:s24+$0x4020];
	v16 =	vadd.s32 v0, v16;
	v4 =	vor.u32 v4, v11  }
0x42: {  	v8 =	vld [tilespmem:s23+$0x40];
	v5 =	vxor.u32 v13, v5;
	v11 =	vshra.s32 v6, $0x13;
	v25 =	vsel vm1, v16, v3  }
0x43: {  	v16 =	vld [tilespmem:s24+$0x20];
	vm1 =	vgt.s32 v12, $0x0;
	v12 =	vadd.s32 v0, v4;
	v13 =	vadd.f32 $1.000000000e+00, v5  }
0x44: {  	v4 =	vld [tilespmem:s23+$0x4060];
	v11 =	vor.u32 v17, v11;
	v17 =	vxor.u32 v18, v19;
	v18 =	vsel vm1, v12, v3  }
0x45: {  	v5 =	vld [tilespmem:s23+$0x4070];
	v19 =	vshll.u32 v15, $0xC;
	vm1 =	vgt.s32 v6, $0x0;
	v27 =	vshra.s32 v13, $0x13  }
0x46: {  	v11 =	vadd.s32 v0, v11;
	v6 =	vld [tilespmem:s23+$0x4030];
	v17 =	vadd.f32 $1.000000000e+00, v17;
	v19 =	vor.u32 v19, v27  }
0x47: {  	v27 =	vsel vm1, v11, v3;
	vm1 =	vgt.s32 v13, $0x0;
	v11 =	vld [tilespmem:s23+$0x70];
	v13 =	vadd.s32 v0, v19  }
0x48: {  	v12 =	vshll.u32 v14, $0xC;
	[tilespmem:v25+s16+$0x0] =	vst.idx.add.f32.msk $0xff, v2;
	v24 =	vsel vm1, v13, v3;
	v13 =	vshll.u32 v23, $0x1F  }
0x49: {  	v30 =	vshll.u32 v21, $0x1F;
	vm2 =	vgt.s32 v17, $0x0;
	[tilespmem:v18+s16+$0x0] =	vst.idx.add.f32.msk $0xff, v2;
	v7 =	vxor.u32 v7, v13  }
0x4a: {  	v16 =	vxor.u32 v16, v30;
	v13 =	vld [tilespmem:s23+$0x60];
	v61 =	vadd.f32 $1.000000000e+00, v7;
	v7 =	vshra.s32 v20, $0x13  }
0x4b: {  	vm1 =	vgt.s32 v20, $0x0;
	[tilespmem:v25+s16+$0x0] =	vst.idx.add.f32.msk vm0, v2;
	v20 =	vshra.s32 v17, $0x13;
	v7 =	vor.u32 v12, v7  }
0x4c: {  	v19 =	vshll.u32 v23, $0xC;
	[tilespmem:v18+s16+$0x0] =	vst.idx.add.f32.msk vm0, v2;
	v20 =	vor.u32 v29, v20;
	v7 =	vadd.s32 v0, v7  }
0x4d: {  	v16 =	vadd.f32 $1.000000000e+00, v16;
	v12 =	vld [tilespmem:s23+$0x30];
	v17 =	vadd.s32 v0, v20;
	v20 =	vsel vm1, v7, v3  }
0x4e: {  	[tilespmem:v24+s16+$0x0] =	vst.idx.add.f32.msk $0xff, v2;
	v62 =	vsel vm2, v17, v3;
	v7 =	vshra.s32 v61, $0x13;
	vm1 =	vgt.s32 v61, $0x0  }
0x4f: {  	[tilespmem:v24+s16+$0x0] =	vst.idx.add.f32.msk vm0, v2;
	v24 =	vshll.u32 v21, $0xC;
	v17 =	vor.u32 v19, v7;
	v21 =	vadd.s32 v21, v22  }
0x50: {  	v19 =	vshra.s32 v16, $0x13;
	v7 =	vld [tilespmem:s23+$0x4050];
	v17 =	vadd.s32 v0, v17;
	v21 =	vadd.s32 v14, v21  }
0x51: {  	v19 =	vor.u32 v24, v19;
	v14 =	vsel vm1, v17, v3;
	v17 =	vadd.s32 v23, v21;
	v21 =	vld [tilespmem:s23+$0x4000]  }
0x52: {  	[tilespmem:v27+s16+$0x0] =	vst.idx.add.f32.msk $0xff, v2;
	v19 =	vadd.s32 v0, v19;
	vm1 =	vgt.s32 v16, $0x0;
	v10 =	vadd.s32 v10, v17  }
0x53: {  	v18 =	vshll.u32 v6, $0x1F;
	[tilespmem:v27+s16+$0x0] =	vst.idx.add.f32.msk vm0, v2;
	v22 =	vsel vm1, v19, v3;
	v9 =	vadd.s32 v9, v10  }
0x54: {  	v24 =	vshll.u32 v31, $0xC;
	[tilespmem:v20+s16+$0x0] =	vst.idx.add.f32.msk $0xff, v2;
	v10 =	vadd.s32 v15, v9;
	v15 =	vshll.u32 v31, $0x1F  }
0x55: {  	v17 =	vshll.u32 v4, $0x1F;
	[tilespmem:v62+s16+$0x0] =	vst.idx.add.f32.msk $0xff, v2;
	v19 =	vshll.u32 v7, $0x1F;
	v15 =	vxor.u32 v28, v15  }
0x56: {  	[tilespmem:v20+s16+$0x0] =	vst.idx.add.f32.msk vm0, v2;
	v20 =	vshll.u32 v21, $0x1F;
	v16 =	vadd.f32 $1.000000000e+00, v15;
	v15 =	vxor.u32 v26, v19  }
0x57: {  	v9 =	vld [tilespmem:s23+$0x4040];
	v10 =	vadd.s32 v10, v21;
	v19 =	vxor.u32 v32, v20;
	v20 =	vadd.f32 $1.000000000e+00, v15  }
0x58: {  	v21 =	vshll.u32 v21, $0xC;
	[tilespmem:v22+s16+$0x0] =	vst.idx.add.f32.msk $0xff, v2;
	v15 =	vshll.u32 v7, $0xC;
	v10 =	vadd.s32 v31, v10  }
0x59: {  	v26 =	vadd.f32 $1.000000000e+00, v19;
	[tilespmem:v22+s16+$0x0] =	vst.idx.add.f32.msk vm0, v2;
	v22 =	vshra.s32 v16, $0x13;
	v63 =	vshra.s32 v20, $0x13  }
0x5a: {  	s28 =	simm.s32 $0x100;
	[tilespmem:v62+s16+$0x0] =	vst.idx.add.f32.msk vm0, v2;
	v19 =	vshll.u32 v5, $0x1F;
	v22 =	vor.u32 v24, v22;
	v15 =	vor.u32 v15, v63  }
0x5b: {  	s26 =	simm.s32 $0x800;
	s25 =	simm.s32 $0x40;
	s24 =	simm.s32 $0x8;
	[tilespmem:v14+s16+$0x0] =	vst.idx.add.f32.msk $0xff, v2;
	v23 =	vshra.s32 v26, $0x13;
	vm1 =	vgt.s32 v26, $0x0;
	v24 =	vadd.s32 v0, v15  }
.LBB2_5:
0x5c: {  	s29 =	sand.u32 $0x1000, s28;
	s30 =	sand.u32 $0xC00, s26;
	s24 =	sadd.s32 $0x8, s24;
	v15 =	vor.u32 v21, v23;
	vm2 =	vgt.s32 v20, $0x0;
	v13 =	vxor.u32 v13, v17;
	[tilespmem:v14+s16+$0x0] =	vst.idx.add.f32.msk vm0, v2  }
0x5d: {  	v20 =	vshll.u32 v6, $0xC;
	s29 =	sor.u32 s30, s29;
	s30 =	sand.u32 $0x380, s25;
	p0 =	slt.u32 s24, $0x1F8;
	v14 =	vadd.s32 v0, v15;
	v17 =	vld [tilespmem:s23+$0x4020];
	v15 =	vsel vm2, v24, v3  }
0x5e: {  	v11 =	vxor.u32 v11, v19;
	vm2 =	vgt.s32 v16, $0x0;
	v16 =	vadd.s32 v0, v22;
	v21 =	vld [tilespmem:s23+$0x20];
	s23 =	sor.u32 s30, s29  }
0x5f: {  	v23 =	vshll.u32 v5, $0xC;
	v22 =	vsel vm2, v16, v3;
	v16 =	vshll.u32 v9, $0xC;
	v19 =	vld [tilespmem:s23+$0x40]  }
0x60: {  	v12 =	vxor.u32 v12, v18;
	v25 =	vsel vm1, v14, v3;
	v14 =	vshll.u32 v9, $0x1F;
	v24 =	vld [tilespmem:s23+$0x50]  }
0x61: {  	v26 =	vshll.u32 v4, $0xC;
	v12 =	vadd.f32 $1.000000000e+00, v12;
	v13 =	vadd.f32 $1.000000000e+00, v13;
	v18 =	vld [tilespmem:s23+$0x4060]  }
0x62: {  	v11 =	vadd.f32 $1.000000000e+00, v11;
	v30 =	vxor.u32 v8, v14;
	v27 =	vld [tilespmem:s23+$0x4070];
	v28 =	vshll.u32 v17, $0x1F  }
0x63: {  	v29 =	vshra.s32 v13, $0x13;
	v14 =	vxor.u32 v21, v28;
	v21 =	vadd.f32 $1.000000000e+00, v30;
	[tilespmem:v15+s16+$0x0] =	vst.idx.add.f32.msk $0xff, v2  }
0x64: {  	vm1 =	vgt.s32 v12, $0x0;
	vm2 =	vgt.s32 v11, $0x0;
	v26 =	vor.u32 v26, v29;
	v28 =	vld [tilespmem:s23+$0x4030];
	v8 =	vmovc v19  }
0x65: {  	vm3 =	vgt.s32 v13, $0x0;
	v13 =	vadd.s32 v0, v26;
	v26 =	vshra.s32 v11, $0x13;
	v19 =	vld [tilespmem:s23+$0x10]  }
0x66: {  	v29 =	vshll.u32 v17, $0xC;
	v30 =	vsel vm3, v13, v3;
	v13 =	vor.u32 v23, v26;
	v11 =	vld [tilespmem:s23+$0x70]  }
0x67: {  	v23 =	vadd.f32 $1.000000000e+00, v14;
	v13 =	vadd.s32 v0, v13;
	v14 =	vshra.s32 v21, $0x13;
	[tilespmem:v25+s16+$0x0] =	vst.idx.add.f32.msk $0xff, v2  }
0x68: {  	v31 =	vshra.s32 v12, $0x13;
	v12 =	vor.u32 v16, v14;
	v16 =	vsel vm2, v13, v3;
	v26 =	vld [tilespmem:s23+$0x4010]  }
0x69: {  	v14 =	vshra.s32 v23, $0x13;
	vm2 =	vgt.s32 v21, $0x0;
	v21 =	vadd.s32 v0, v12;
	v13 =	vld [tilespmem:s23+$0x60]  }
0x6a: {  	v20 =	vor.u32 v20, v31;
	v29 =	vor.u32 v29, v14;
	v14 =	vsel vm2, v21, v3;
	v12 =	vld [tilespmem:s23+$0x30]  }
0x6b: {  	v10 =	vadd.s32 v17, v10;
	v17 =	vadd.s32 v0, v20;
	v29 =	vadd.s32 v0, v29;
	v21 =	vld [tilespmem:s23+$0x0]  }
0x6c: {  	v17 =	vsel vm1, v17, v3;
	v10 =	vadd.s32 v6, v10;
	v6 =	vmov v28;
	v20 =	vld [tilespmem:s23+$0x4050]  }
0x6d: {  	v9 =	vadd.s32 v9, v10;
	[tilespmem:v16+s16+$0x0] =	vst.idx.add.f32.msk $0xff, v2  }
0x6e: {  	v7 =	vadd.s32 v7, v9;
	vm1 =	vgt.s32 v23, $0x0;
	[tilespmem:v16+s16+$0x0] =	vst.idx.add.f32.msk vm0, v2  }
0x6f: {  	v9 =	vadd.s32 v4, v7;
	v4 =	vmov v18;
	v28 =	vsel vm1, v29, v3;
	[tilespmem:v22+s16+$0x0] =	vst.idx.add.f32.msk $0xff, v2  }
0x70: {  	v10 =	vadd.s32 v5, v9;
	v5 =	vmov v27;
	v18 =	vld [tilespmem:s23+$0x4000]  }
0x71: {  	v16 =	vshll.u32 v26, $0x1F;
	[tilespmem:v17+s16+$0x0] =	vst.idx.add.f32.msk $0xff, v2;
	v7 =	vmov v20  }
0x72: {  	[tilespmem:v17+s16+$0x0] =	vst.idx.add.f32.msk vm0, v2  }
0x73: {  	v27 =	vshll.u32 v26, $0xC;
	v17 =	vshll.u32 v4, $0x1F;
	v9 =	vld [tilespmem:s23+$0x4040]  }
0x74: {  	v16 =	vxor.u32 v19, v16;
	v19 =	vshll.u32 v7, $0x1F;
	[tilespmem:v30+s16+$0x0] =	vst.idx.add.f32.msk $0xff, v2  }
0x75: {  	v16 =	vadd.f32 $1.000000000e+00, v16;
	v19 =	vxor.u32 v24, v19;
	v20 =	vshll.u32 v18, $0x1F;
	[tilespmem:v14+s16+$0x0] =	vst.idx.add.f32.msk $0xff, v2  }
0x76: {  	v24 =	vshll.u32 v7, $0xC;
	v10 =	vadd.s32 v10, v18;
	v20 =	vxor.u32 v21, v20;
	[tilespmem:v25+s16+$0x0] =	vst.idx.add.f32.msk vm0, v2  }
.Ltmp1:
0x77: {  	v10 =	vadd.s32 v26, v10;
	v25 =	vadd.f32 $1.000000000e+00, v20;
	v20 =	vadd.f32 $1.000000000e+00, v19;
	[tilespmem:v28+s16+$0x0] =	vst.idx.add.f32.msk $0xff, v2;
	(pc) =	sbr.rel @p0 .LBB2_5-.Ltmp1, $4  }
0x78: {  	v21 =	vshll.u32 v18, $0xC;
	v19 =	vshll.u32 v5, $0x1F;
	[tilespmem:v30+s16+$0x0] =	vst.idx.add.f32.msk vm0, v2  }
0x79: {  	v18 =	vshll.u32 v6, $0x1F;
	v23 =	vshra.s32 v25, $0x13;
	v26 =	vshra.s32 v20, $0x13;
	[tilespmem:v28+s16+$0x0] =	vst.idx.add.f32.msk vm0, v2  }
0x7a: {  	vm1 =	vgt.s32 v25, $0x0;
	v25 =	vshra.s32 v16, $0x13;
	v24 =	vor.u32 v24, v26;
	[tilespmem:v22+s16+$0x0] =	vst.idx.add.f32.msk vm0, v2  }
0x7b: {  	s26 =	sadd.s32 $0x400, s26;
	s28 =	sadd.s32 $0x80, s28;
	s25 =	sadd.s32 $0x20, s25;
	v22 =	vor.u32 v27, v25;
	v24 =	vadd.s32 v0, v24;
	[tilespmem:v15+s16+$0x0] =	vst.idx.add.f32.msk vm0, v2  }
0x7c: {  	v15 =	vor.u32 v21, v23;
	vm2 =	vgt.s32 v20, $0x0  }
0x7d: {  	v13 =	vxor.u32 v13, v17;
	v20 =	vshll.u32 v6, $0xC;
	v11 =	vxor.u32 v11, v19  }
0x7e: {  	v17 =	vld [tilespmem:s23+$0x4020];
	v19 =	vshll.u32 v9, $0xC;
	v23 =	vshll.u32 v5, $0xC;
	v12 =	vxor.u32 v12, v18  }
0x7f: {  	v21 =	vsel vm2, v24, v3;
	vm2 =	vgt.s32 v16, $0x0;
	v16 =	vadd.s32 v0, v22;
	v22 =	vld [tilespmem:s23+$0x20]  }
0x80: {  	v18 =	vshll.u32 v9, $0x1F;
	v15 =	vadd.s32 v0, v15;
	v11 =	vadd.f32 $1.000000000e+00, v11  }
0x81: {  	v12 =	vadd.f32 $1.000000000e+00, v12;
	v13 =	vadd.f32 $1.000000000e+00, v13;
	v15 =	vsel vm1, v15, v3  }
0x82: {  	v24 =	vshll.u32 v4, $0xC;
	v8 =	vxor.u32 v8, v18;
	v16 =	vsel vm2, v16, v3  }
0x83: {  	v8 =	vadd.f32 $1.000000000e+00, v8;
	v26 =	vshra.s32 v11, $0x13;
	v25 =	vshll.u32 v17, $0x1F  }
0x84: {  	[tilespmem:v14+s16+$0x0] =	vst.idx.add.f32.msk vm0, v2;
	vm1 =	vgt.s32 v11, $0x0;
	v18 =	vxor.u32 v22, v25;
	v22 =	vor.u32 v23, v26  }
0x85: {  	vm2 =	vgt.s32 v13, $0x0;
	v23 =	vshra.s32 v12, $0x13;
	[tilespmem:v21+s16+$0x0] =	vst.idx.add.f32.msk $0xff, v2;
	v11 =	vadd.s32 v0, v22  }
0x86: {  	v22 =	vshra.s32 v13, $0x13;
	v20 =	vor.u32 v20, v23;
	[tilespmem:v15+s16+$0x0] =	vst.idx.add.f32.msk $0xff, v2;
	v11 =	vsel vm1, v11, v3  }
0x87: {  	v14 =	vadd.f32 $1.000000000e+00, v18;
	[tilespmem:v16+s16+$0x0] =	vst.idx.add.f32.msk $0xff, v2;
	vm1 =	vgt.s32 v12, $0x0;
	v13 =	vadd.s32 v0, v20  }
0x88: {  	v18 =	vshra.s32 v8, $0x13;
	[tilespmem:v21+s16+$0x0] =	vst.idx.add.f32.msk vm0, v2;
	v12 =	vor.u32 v24, v22;
	v13 =	vsel vm1, v13, v3  }
0x89: {  	v18 =	vor.u32 v19, v18;
	[tilespmem:v15+s16+$0x0] =	vst.idx.add.f32.msk vm0, v2;
	v12 =	vadd.s32 v0, v12  }
0x8a: {  	[tilespmem:v16+s16+$0x0] =	vst.idx.add.f32.msk vm0, v2;
	vm1 =	vgt.s32 v8, $0x0;
	v8 =	vadd.s32 v0, v18;
	v12 =	vsel vm2, v12, v3  }
0x8b: {  	v20 =	vshll.u32 v17, $0xC;
	v19 =	vshra.s32 v14, $0x13;
	v8 =	vsel vm1, v8, v3;
	[tilespmem:v11+s16+$0x0] =	vst.idx.add.f32.msk $0xff, v2  }
0x8c: {  	v18 =	vor.u32 v20, v19;
	[tilespmem:v11+s16+$0x0] =	vst.idx.add.f32.msk vm0, v2  }
0x8d: {  	vm1 =	vgt.s32 v14, $0x0;
	v11 =	vadd.s32 v0, v18;
	[tilespmem:v13+s16+$0x0] =	vst.idx.add.f32.msk $0xff, v2  }
0x8e: {  	v11 =	vsel vm1, v11, v3;
	[tilespmem:v13+s16+$0x0] =	vst.idx.add.f32.msk vm0, v2  }
0x8f: {  	[tilespmem:v12+s16+$0x0] =	vst.idx.add.f32.msk $0xff, v2  }
0x90: {  	[tilespmem:v8+s16+$0x0] =	vst.idx.add.f32.msk $0xff, v2  }
0x91: {  	[tilespmem:v12+s16+$0x0] =	vst.idx.add.f32.msk vm0, v2  }
0x92: {  	[tilespmem:v8+s16+$0x0] =	vst.idx.add.f32.msk vm0, v2  }
0x93: {  	[tilespmem:v11+s16+$0x0] =	vst.idx.add.f32.msk $0xff, v2  }
0x94: {  	[tilespmem:v11+s16+$0x0] =	vst.idx.add.f32.msk vm0, v2  }
0x95: {  	_ =	swait.ge [sflag:s5], $0x2000  }
0x96: {  	[sflag:s5] =	ssyncset.done $0x0  }
0x97: {  	[sflag:s5] =	ssyncadd.s32 $0xFFFFE000  }
0x98: {  	p0 =	seq.s32 s21, $0x7;
	s25 =	simm.s32 $0x0;
	_ =	swait.ge [sflag:s13], $0x2000  }
0x99: {  	s22 =	sadd.s32 @!p0 s22, s8;
	s24 =	simm.s32 @!p0 $0x0;
	[sflag:s13] =	ssyncset.done $0x0  }
0x9a: {  	s26 =	sand.u32 $0x1000, s25;
	s23 =	sadd.s32 @!p0 s1, s22;
	[sflag:s13] =	ssyncadd.s32 $0xFFFFE000  }
0x9b: {  	[tilespmem:s24], [sflag:$0x1] =	stream.linear.gather @!p0 [hbm4b:s23+s24], $0x2000, $0x38;
	[tilespmem:$0x1A080] =	vst v63  }
0x9c: {  	s28 =	sand.u32 $0xC00, s25;
	s22 =	sadd.s32 @!p0 s2, s22;
	s23 =	simm.s32 @!p0 $0x4000  }
0x9d: {  	[tilespmem:s23], [sflag:$0x2] =	stream.linear.gather @!p0 [hbm4b:s22+s24], $0x2000, $0x38;
	[tilespmem:$0x1A080] =	vst v63  }
0x9e: {  	s23 =	sor.u32 s28, s26;
	s22 =	sand.u32 $0x380, s25  }
0x9f: {  	s23 =	sor.u32 s22, s23  }
0xa0: {  	v8 =	vld [tilespmem:s23+$0x2040]  }
0xa1: {  	v11 =	vld [tilespmem:s23+$0x2050]  }
0xa2: {  	v12 =	vld [tilespmem:s23+$0x6060]  }
0xa3: {  	v10 =	vadd.s32 v17, v10;
	v15 =	vld [tilespmem:s23+$0x6050]  }
0xa4: {  	v6 =	vadd.s32 v6, v10;
	v10 =	vld [tilespmem:s23+$0x6010]  }
0xa5: {  	v6 =	vadd.s32 v9, v6;
	v9 =	vld [tilespmem:s23+$0x6000]  }
0xa6: {  	v23 =	vld [tilespmem:s23+$0x6040]  }
0xa7: {  	v6 =	vadd.s32 v7, v6;
	v13 =	vld [tilespmem:s23+$0x2010]  }
0xa8: {  	v4 =	vadd.s32 v4, v6;
	v16 =	vld [tilespmem:s23+$0x6070]  }
0xa9: {  	v4 =	vadd.s32 v5, v4;
	v6 =	vld [tilespmem:s23+$0x2000];
	v7 =	vshll.u32 v15, $0x1F  }
0xaa: {  	s29 =	simm.s32 $0x400;
	s30 =	simm.s32 $0x80;
	v14 =	vld [tilespmem:s23+$0x6030];
	v17 =	vshll.u32 v10, $0xC;
	v19 =	vshll.u32 v12, $0x1F;
	v4 =	vadd.s32 v4, v9  }
0xab: {  	s25 =	simm.s32 $0x20;
	s24 =	sand.u32 $0x1000, s30;
	s22 =	sand.u32 $0xC00, s29;
	v20 =	vld [tilespmem:s23+$0x2030];
	v28 =	vshll.u32 v23, $0xC;
	v30 =	vshll.u32 v12, $0xC;
	v5 =	vxor.u32 v11, v7  }
0xac: {  	s31 =	sand.u32 $0x380, s25;
	v18 =	vld [tilespmem:s23+$0x2060];
	s22 =	sor.u32 s22, s24;
	v7 =	vshll.u32 v10, $0x1F;
	v24 =	vadd.s32 v10, v4;
	v4 =	vshll.u32 v9, $0xC  }
0xad: {  	s22 =	sor.u32 s31, s22;
	v11 =	vld [tilespmem:s23+$0x2070];
	v5 =	vadd.f32 $1.000000000e+00, v5;
	v7 =	vxor.u32 v13, v7;
	v13 =	vshll.u32 v9, $0x1F  }
0xae: {  	v26 =	vld [tilespmem:s22+$0x2050];
	v21 =	vadd.f32 $1.000000000e+00, v7;
	v7 =	vshll.u32 v15, $0xC;
	v6 =	vxor.u32 v6, v13  }
0xaf: {  	v31 =	vld [tilespmem:s22+$0x6010];
	v13 =	vshll.u32 v14, $0x1F;
	v22 =	vshra.s32 v5, $0x13;
	v6 =	vadd.f32 $1.000000000e+00, v6  }
0xb0: {  	v61 =	vld [tilespmem:s22+$0x2000];
	vm1 =	vgt.s32 v5, $0x0;
	v13 =	vxor.u32 v20, v13;
	v7 =	vor.u32 v7, v22  }
0xb1: {  	v9 =	vld [tilespmem:s23+$0x2020];
	v5 =	vshll.u32 v16, $0x1F;
	v29 =	vadd.f32 $1.000000000e+00, v13;
	v7 =	vadd.s32 v0, v7  }
0xb2: {  	v22 =	vld [tilespmem:s23+$0x6020];
	v10 =	vshra.s32 v6, $0x13;
	v5 =	vxor.u32 v11, v5;
	v25 =	vsel vm1, v7, v3  }
0xb3: {  	v7 =	vld [tilespmem:s22+$0x2040];
	vm1 =	vgt.s32 v6, $0x0;
	v4 =	vor.u32 v4, v10;
	v6 =	vshra.s32 v21, $0x13  }
0xb4: {  	v11 =	vadd.f32 $1.000000000e+00, v5;
	v5 =	vld [tilespmem:s22+$0x6070];
	v10 =	vadd.s32 v0, v4;
	v6 =	vor.u32 v17, v6  }
0xb5: {  	v4 =	vld [tilespmem:s22+$0x6060];
	v17 =	vxor.u32 v18, v19;
	v18 =	vsel vm1, v10, v3;
	v10 =	vshll.u32 v16, $0xC  }
0xb6: {  	v27 =	vshra.s32 v11, $0x13;
	vm1 =	vgt.s32 v21, $0x0;
	v21 =	vadd.s32 v0, v6;
	v6 =	vld [tilespmem:s22+$0x6030]  }
0xb7: {  	v17 =	vadd.f32 $1.000000000e+00, v17;
	v10 =	vor.u32 v10, v27;
	v27 =	vsel vm1, v21, v3;
	v21 =	vld [tilespmem:s22+$0x2010]  }
0xb8: {  	vm1 =	vgt.s32 v11, $0x0;
	v13 =	vshll.u32 v22, $0x1F;
	v11 =	vadd.s32 v0, v10;
	v10 =	vld [tilespmem:s22+$0x2070]  }
0xb9: {  	v9 =	vxor.u32 v9, v13;
	v13 =	vld [tilespmem:s22+$0x2060];
	v20 =	vsel vm1, v11, v3;
	v11 =	vshll.u32 v23, $0x1F  }
0xba: {  	v19 =	vshll.u32 v14, $0xC;
	v59 =	vshra.s32 v17, $0x13;
	[tilespmem:v25+s16+$0x0] =	vst.idx.add.f32.msk $0xff, v2;
	v8 =	vxor.u32 v8, v11  }
0xbb: {  	vm2 =	vgt.s32 v17, $0x0;
	v11 =	vld [tilespmem:s22+$0x2030];
	v32 =	vadd.f32 $1.000000000e+00, v8;
	v8 =	vshra.s32 v29, $0x13  }
0xbc: {  	vm1 =	vgt.s32 v29, $0x0;
	[tilespmem:v25+s16+$0x0] =	vst.idx.add.f32.msk vm0, v2;
	v8 =	vor.u32 v19, v8;
	v19 =	vor.u32 v30, v59  }
0xbd: {  	v9 =	vadd.f32 $1.000000000e+00, v9;
	[tilespmem:v18+s16+$0x0] =	vst.idx.add.f32.msk $0xff, v2;
	v8 =	vadd.s32 v0, v8;
	v17 =	vadd.s32 v0, v19  }
0xbe: {  	[tilespmem:v20+s16+$0x0] =	vst.idx.add.f32.msk $0xff, v2;
	v19 =	vsel vm1, v8, v3;
	v60 =	vsel vm2, v17, v3;
	v8 =	vshra.s32 v32, $0x13  }
0xbf: {  	[tilespmem:v20+s16+$0x0] =	vst.idx.add.f32.msk vm0, v2;
	v20 =	vshll.u32 v22, $0xC;
	v17 =	vor.u32 v28, v8;
	v22 =	vadd.s32 v22, v24  }
0xc0: {  	vm1 =	vgt.s32 v32, $0x0;
	v8 =	vld [tilespmem:s22+$0x6050];
	v17 =	vadd.s32 v0, v17;
	v22 =	vadd.s32 v14, v22  }
0xc1: {  	v14 =	vsel vm1, v17, v3;
	v17 =	vadd.s32 v23, v22;
	v22 =	vld [tilespmem:s22+$0x6000]  }
0xc2: {  	v62 =	vshra.s32 v9, $0x13;
	[tilespmem:v18+s16+$0x0] =	vst.idx.add.f32.msk vm0, v2;
	v18 =	vshll.u32 v6, $0x1F  }
0xc3: {  	[tilespmem:v27+s16+$0x0] =	vst.idx.add.f32.msk $0xff, v2;
	v20 =	vor.u32 v20, v62;
	vm1 =	vgt.s32 v9, $0x0;
	v9 =	vadd.s32 v15, v17  }
0xc4: {  	[tilespmem:v27+s16+$0x0] =	vst.idx.add.f32.msk vm0, v2;
	v24 =	vshll.u32 v31, $0xC;
	v20 =	vadd.s32 v0, v20;
	v9 =	vadd.s32 v12, v9  }
0xc5: {  	v15 =	vsel vm1, v20, v3;
	v17 =	vshll.u32 v4, $0x1F;
	[tilespmem:v19+s16+$0x0] =	vst.idx.add.f32.msk $0xff, v2;
	v12 =	vadd.s32 v16, v9  }
0xc6: {  	[tilespmem:v19+s16+$0x0] =	vst.idx.add.f32.msk vm0, v2;
	v16 =	vshll.u32 v31, $0x1F;
	v19 =	vshll.u32 v8, $0x1F;
	v20 =	vshll.u32 v22, $0x1F  }
0xc7: {  	[tilespmem:v60+s16+$0x0] =	vst.idx.add.f32.msk $0xff, v2;
	v63 =	vshll.u32 v8, $0xC;
	v19 =	vxor.u32 v26, v19;
	v20 =	vxor.u32 v61, v20  }
0xc8: {  	v9 =	vld [tilespmem:s22+$0x6040];
	v16 =	vxor.u32 v21, v16;
	v26 =	vadd.f32 $1.000000000e+00, v20;
	v20 =	vadd.f32 $1.000000000e+00, v19  }
0xc9: {  	[tilespmem:v60+s16+$0x0] =	vst.idx.add.f32.msk vm0, v2;
	v16 =	vadd.f32 $1.000000000e+00, v16;
	v12 =	vadd.s32 v12, v22;
	v21 =	vshll.u32 v22, $0xC  }
0xca: {  	[tilespmem:v15+s16+$0x0] =	vst.idx.add.f32.msk $0xff, v2;
	v12 =	vadd.s32 v31, v12;
	v19 =	vshll.u32 v5, $0x1F;
	v22 =	vshra.s32 v20, $0x13  }
0xcb: {  	s26 =	simm.s32 $0x100;
	[tilespmem:v15+s16+$0x0] =	vst.idx.add.f32.msk vm0, v2;
	v15 =	vshra.s32 v16, $0x13;
	v23 =	vshra.s32 v26, $0x13;
	v28 =	vor.u32 v63, v22  }
0xcc: {  	s25 =	simm.s32 $0x800;
	s24 =	simm.s32 $0x40;
	s23 =	simm.s32 $0x8;
	[tilespmem:v14+s16+$0x0] =	vst.idx.add.f32.msk $0xff, v2;
	vm1 =	vgt.s32 v26, $0x0;
	v22 =	vor.u32 v24, v15;
	v24 =	vadd.s32 v0, v28  }
.LBB2_7:
0xcd: {  	s28 =	sand.u32 $0x1000, s26;
	s29 =	sand.u32 $0xC00, s25;
	s23 =	sadd.s32 $0x8, s23;
	v15 =	vor.u32 v21, v23;
	vm2 =	vgt.s32 v20, $0x0;
	v13 =	vxor.u32 v13, v17;
	[tilespmem:v14+s16+$0x0] =	vst.idx.add.f32.msk vm0, v2  }
0xce: {  	v20 =	vshll.u32 v6, $0xC;
	s28 =	sor.u32 s29, s28;
	s29 =	sand.u32 $0x380, s24;
	p0 =	slt.u32 s23, $0x1F8;
	v14 =	vadd.s32 v0, v15;
	v17 =	vld [tilespmem:s22+$0x6020];
	v15 =	vsel vm2, v24, v3  }
0xcf: {  	v10 =	vxor.u32 v10, v19;
	vm2 =	vgt.s32 v16, $0x0;
	v16 =	vadd.s32 v0, v22;
	v21 =	vld [tilespmem:s22+$0x2020];
	s22 =	sor.u32 s29, s28  }
0xd0: {  	v23 =	vshll.u32 v5, $0xC;
	v22 =	vsel vm2, v16, v3;
	v16 =	vshll.u32 v9, $0xC;
	v19 =	vld [tilespmem:s22+$0x2040]  }
0xd1: {  	v11 =	vxor.u32 v11, v18;
	v25 =	vsel vm1, v14, v3;
	v14 =	vshll.u32 v9, $0x1F;
	v24 =	vld [tilespmem:s22+$0x2050]  }
0xd2: {  	v26 =	vshll.u32 v4, $0xC;
	v11 =	vadd.f32 $1.000000000e+00, v11;
	v13 =	vadd.f32 $1.000000000e+00, v13;
	v18 =	vld [tilespmem:s22+$0x6060]  }
0xd3: {  	v10 =	vadd.f32 $1.000000000e+00, v10;
	v30 =	vxor.u32 v7, v14;
	v27 =	vld [tilespmem:s22+$0x6070];
	v28 =	vshll.u32 v17, $0x1F  }
0xd4: {  	v29 =	vshra.s32 v13, $0x13;
	v14 =	vxor.u32 v21, v28;
	v21 =	vadd.f32 $1.000000000e+00, v30;
	[tilespmem:v15+s16+$0x0] =	vst.idx.add.f32.msk $0xff, v2  }
0xd5: {  	vm1 =	vgt.s32 v11, $0x0;
	vm2 =	vgt.s32 v10, $0x0;
	v26 =	vor.u32 v26, v29;
	v28 =	vld [tilespmem:s22+$0x6030];
	v7 =	vmovc v19  }
0xd6: {  	vm3 =	vgt.s32 v13, $0x0;
	v13 =	vadd.s32 v0, v26;
	v26 =	vshra.s32 v10, $0x13;
	v19 =	vld [tilespmem:s22+$0x2010]  }
0xd7: {  	v29 =	vshll.u32 v17, $0xC;
	v30 =	vsel vm3, v13, v3;
	v13 =	vor.u32 v23, v26;
	v10 =	vld [tilespmem:s22+$0x2070]  }
0xd8: {  	v23 =	vadd.f32 $1.000000000e+00, v14;
	v13 =	vadd.s32 v0, v13;
	v14 =	vshra.s32 v21, $0x13;
	[tilespmem:v25+s16+$0x0] =	vst.idx.add.f32.msk $0xff, v2  }
0xd9: {  	v31 =	vshra.s32 v11, $0x13;
	v11 =	vor.u32 v16, v14;
	v16 =	vsel vm2, v13, v3;
	v26 =	vld [tilespmem:s22+$0x6010]  }
0xda: {  	v14 =	vshra.s32 v23, $0x13;
	vm2 =	vgt.s32 v21, $0x0;
	v21 =	vadd.s32 v0, v11;
	v13 =	vld [tilespmem:s22+$0x2060]  }
0xdb: {  	v20 =	vor.u32 v20, v31;
	v29 =	vor.u32 v29, v14;
	v14 =	vsel vm2, v21, v3;
	v11 =	vld [tilespmem:s22+$0x2030]  }
0xdc: {  	v12 =	vadd.s32 v17, v12;
	v17 =	vadd.s32 v0, v20;
	v29 =	vadd.s32 v0, v29;
	v21 =	vld [tilespmem:s22+$0x2000]  }
0xdd: {  	v17 =	vsel vm1, v17, v3;
	v12 =	vadd.s32 v6, v12;
	v6 =	vmov v28;
	v20 =	vld [tilespmem:s22+$0x6050]  }
0xde: {  	v9 =	vadd.s32 v9, v12;
	[tilespmem:v16+s16+$0x0] =	vst.idx.add.f32.msk $0xff, v2  }
0xdf: {  	v8 =	vadd.s32 v8, v9;
	vm1 =	vgt.s32 v23, $0x0;
	[tilespmem:v16+s16+$0x0] =	vst.idx.add.f32.msk vm0, v2  }
0xe0: {  	v9 =	vadd.s32 v4, v8;
	v4 =	vmov v18;
	v28 =	vsel vm1, v29, v3;
	[tilespmem:v22+s16+$0x0] =	vst.idx.add.f32.msk $0xff, v2  }
0xe1: {  	v12 =	vadd.s32 v5, v9;
	v5 =	vmov v27;
	v18 =	vld [tilespmem:s22+$0x6000]  }
0xe2: {  	v16 =	vshll.u32 v26, $0x1F;
	[tilespmem:v17+s16+$0x0] =	vst.idx.add.f32.msk $0xff, v2;
	v8 =	vmov v20  }
0xe3: {  	[tilespmem:v17+s16+$0x0] =	vst.idx.add.f32.msk vm0, v2  }
0xe4: {  	v27 =	vshll.u32 v26, $0xC;
	v17 =	vshll.u32 v4, $0x1F;
	v9 =	vld [tilespmem:s22+$0x6040]  }
0xe5: {  	v16 =	vxor.u32 v19, v16;
	v19 =	vshll.u32 v8, $0x1F;
	[tilespmem:v30+s16+$0x0] =	vst.idx.add.f32.msk $0xff, v2  }
0xe6: {  	v16 =	vadd.f32 $1.000000000e+00, v16;
	v19 =	vxor.u32 v24, v19;
	v20 =	vshll.u32 v18, $0x1F;
	[tilespmem:v14+s16+$0x0] =	vst.idx.add.f32.msk $0xff, v2  }
0xe7: {  	v24 =	vshll.u32 v8, $0xC;
	v12 =	vadd.s32 v12, v18;
	v20 =	vxor.u32 v21, v20;
	[tilespmem:v25+s16+$0x0] =	vst.idx.add.f32.msk vm0, v2  }
.Ltmp2:
0xe8: {  	v12 =	vadd.s32 v26, v12;
	v25 =	vadd.f32 $1.000000000e+00, v20;
	v20 =	vadd.f32 $1.000000000e+00, v19;
	[tilespmem:v28+s16+$0x0] =	vst.idx.add.f32.msk $0xff, v2;
	(pc) =	sbr.rel @p0 .LBB2_7-.Ltmp2, $4  }
0xe9: {  	v21 =	vshll.u32 v18, $0xC;
	v19 =	vshll.u32 v5, $0x1F;
	[tilespmem:v30+s16+$0x0] =	vst.idx.add.f32.msk vm0, v2  }
0xea: {  	v18 =	vshll.u32 v6, $0x1F;
	v23 =	vshra.s32 v25, $0x13;
	v26 =	vshra.s32 v20, $0x13;
	[tilespmem:v28+s16+$0x0] =	vst.idx.add.f32.msk vm0, v2  }
0xeb: {  	vm1 =	vgt.s32 v25, $0x0;
	v25 =	vshra.s32 v16, $0x13;
	v24 =	vor.u32 v24, v26;
	[tilespmem:v22+s16+$0x0] =	vst.idx.add.f32.msk vm0, v2  }
0xec: {  	s25 =	sadd.s32 $0x400, s25;
	s26 =	sadd.s32 $0x80, s26;
	s24 =	sadd.s32 $0x20, s24;
	v22 =	vor.u32 v27, v25;
	v24 =	vadd.s32 v0, v24;
	[tilespmem:v15+s16+$0x0] =	vst.idx.add.f32.msk vm0, v2  }
0xed: {  	v15 =	vor.u32 v21, v23;
	vm2 =	vgt.s32 v20, $0x0  }
0xee: {  	v13 =	vxor.u32 v13, v17;
	v42 =	vshll.u32 v6, $0xC;
	v44 =	vadd.s32 v0, v22  }
0xef: {  	v10 =	vxor.u32 v10, v19;
	v46 =	vshll.u32 v9, $0xC;
	v47 =	vshll.u32 v5, $0xC  }
0xf0: {  	v11 =	vxor.u32 v11, v18;
	v48 =	vshll.u32 v9, $0x1F;
	v51 =	vshll.u32 v4, $0xC  }
0xf1: {  	v15 =	vadd.s32 v0, v15;
	v43 =	vsel vm2, v24, v3;
	vm2 =	vgt.s32 v16, $0x0  }
0xf2: {  	v41 =	vld [tilespmem:s22+$0x6020];
	v10 =	vadd.f32 $1.000000000e+00, v10;
	v11 =	vadd.f32 $1.000000000e+00, v11;
	v15 =	vsel vm1, v15, v3  }
0xf3: {  	v45 =	vld [tilespmem:s22+$0x2020];
	v13 =	vadd.f32 $1.000000000e+00, v13;
	v7 =	vxor.u32 v7, v48;
	v16 =	vsel vm2, v44, v3  }
0xf4: {  	v7 =	vadd.f32 $1.000000000e+00, v7;
	v50 =	vshra.s32 v10, $0x13;
	vm1 =	vgt.s32 v10, $0x0  }
0xf5: {  	[tilespmem:v14+s16+$0x0] =	vst.idx.add.f32.msk vm0, v2;
	v53 =	vshra.s32 v13, $0x13;
	v54 =	vshra.s32 v11, $0x13;
	v18 =	vor.u32 v47, v50  }
0xf6: {  	vm2 =	vgt.s32 v13, $0x0;
	v55 =	vor.u32 v51, v53;
	v52 =	vadd.s32 v0, v18;
	[tilespmem:v43+s16+$0x0] =	vst.idx.add.f32.msk $0xff, v2  }
0xf7: {  	v56 =	vor.u32 v42, v54;
	v49 =	vshll.u32 v41, $0x1F;
	v10 =	vsel vm1, v52, v3;
	[tilespmem:v15+s16+$0x0] =	vst.idx.add.f32.msk $0xff, v2  }
0xf8: {  	v57 =	vadd.s32 v0, v56;
	v22 =	vxor.u32 v45, v49;
	vm1 =	vgt.s32 v11, $0x0;
	[tilespmem:v16+s16+$0x0] =	vst.idx.add.f32.msk $0xff, v2  }
0xf9: {  	v59 =	vshra.s32 v7, $0x13;
	v11 =	vadd.s32 v0, v55;
	v13 =	vsel vm1, v57, v3;
	[tilespmem:v43+s16+$0x0] =	vst.idx.add.f32.msk vm0, v2  }
0xfa: {  	v18 =	vor.u32 v46, v59;
	v58 =	vadd.f32 $1.000000000e+00, v22;
	v11 =	vsel vm2, v11, v3;
	[tilespmem:v15+s16+$0x0] =	vst.idx.add.f32.msk vm0, v2  }
0xfb: {  	vm1 =	vgt.s32 v7, $0x0;
	v7 =	vadd.s32 v0, v18;
	[tilespmem:v16+s16+$0x0] =	vst.idx.add.f32.msk vm0, v2  }
0xfc: {  	v60 =	vshll.u32 v41, $0xC;
	v7 =	vsel vm1, v7, v3;
	v61 =	vshra.s32 v58, $0x13;
	[tilespmem:v10+s16+$0x0] =	vst.idx.add.f32.msk $0xff, v2  }
0xfd: {  	v62 =	vor.u32 v60, v61;
	[tilespmem:v10+s16+$0x0] =	vst.idx.add.f32.msk vm0, v2  }
0xfe: {  	vm1 =	vgt.s32 v58, $0x0;
	v63 =	vadd.s32 v0, v62;
	[tilespmem:v13+s16+$0x0] =	vst.idx.add.f32.msk $0xff, v2  }
0xff: {  	s21 =	sadd.s32 $0x1, s21;
	v10 =	vsel vm1, v63, v3;
	[tilespmem:v11+s16+$0x0] =	vst.idx.add.f32.msk $0xff, v2  }
0x100: {  	p0 =	sne.s32 s21, $0x8;
	v12 =	vadd.s32 v41, v12;
	[tilespmem:v13+s16+$0x0] =	vst.idx.add.f32.msk vm0, v2  }
.Ltmp3:
0x101: {  	v6 =	vadd.s32 v6, v12;
	[tilespmem:v7+s16+$0x0] =	vst.idx.add.f32.msk $0xff, v2;
	(pc) =	sbr.rel @p0 .LBB2_4-.Ltmp3, $4  }
0x102: {  	v6 =	vadd.s32 v9, v6;
	[tilespmem:v11+s16+$0x0] =	vst.idx.add.f32.msk vm0, v2  }
0x103: {  	v6 =	vadd.s32 v8, v6;
	[tilespmem:v7+s16+$0x0] =	vst.idx.add.f32.msk vm0, v2  }
0x104: {  	v4 =	vadd.s32 v4, v6;
	[tilespmem:v10+s16+$0x0] =	vst.idx.add.f32.msk $0xff, v2  }
0x105: {  	v4 =	vadd.s32 v5, v4;
	[tilespmem:v10+s16+$0x0] =	vst.idx.add.f32.msk vm0, v2  }
0x106: {  	s21 =	simm.s32 $0x0  }
0x107: {  	v5 =	vld [tilespmem:s21+$0x8000]  }
0x108: {  	v6 =	vld [tilespmem:s21+$0xA001]  }
0x109: {  	v7 =	vld [tilespmem:s21+$0xC002]  }
0x10a: {  	v8 =	vld [tilespmem:s21+$0x8010]  }
0x10b: {  	v9 =	vld [tilespmem:s21+$0xE003]  }
0x10c: {  	v10 =	vld [tilespmem:s21+$0xA011]  }
0x10d: {  	v11 =	vld [tilespmem:s21+$0x9010]  }
0x10e: {  	v12 =	vld [tilespmem:s21+$0xB011]  }
0x10f: {  	v13 =	vld [tilespmem:s21+$0x8020]  }
0x110: {  	v14 =	vld [tilespmem:s21+$0xA021]  }
0x111: {  	v15 =	vld [tilespmem:s21+$0xB021]  }
0x112: {  	v16 =	vld [tilespmem:s21+$0xA031]  }
0x113: {  	v17 =	vld [tilespmem:s21+$0xB031]  }
0x114: {  	v19 =	vld [tilespmem:s21+$0xC012]  }
0x115: {  	v20 =	vld [tilespmem:s21+$0xD002]  }
0x116: {  	v21 =	vld [tilespmem:s21+$0xD012]  }
0x117: {  	v22 =	vld [tilespmem:s21+$0xF003]  }
0x118: {  	v23 =	vld [tilespmem:s21+$0xC022]  }
0x119: {  	v24 =	vld [tilespmem:s21+$0x11004]  }
0x11a: {  	v25 =	vld [tilespmem:s21+$0xD022]  }
0x11b: {  	v26 =	vld [tilespmem:s21+$0x13005]  }
0x11c: {  	v27 =	vld [tilespmem:s21+$0xC032]  }
0x11d: {  	v28 =	vld [tilespmem:s21+$0x15006]  }
0x11e: {  	v29 =	vld [tilespmem:s21+$0xD032];
	v5 =	vadd.f32 v6, v5  }
0x11f: {  	v6 =	vld [tilespmem:s21+$0x10004]  }
0x120: {  	v30 =	vld [tilespmem:s21+$0x17007];
	v5 =	vadd.f32 v7, v5  }
0x121: {  	v7 =	vld [tilespmem:s21+$0x12005]  }
0x122: {  	v31 =	vld [tilespmem:s21+$0xE013];
	v5 =	vadd.f32 v9, v5  }
0x123: {  	v9 =	vld [tilespmem:s21+$0x14006]  }
0x124: {  	v32 =	vld [tilespmem:s21+$0xF013];
	v5 =	vadd.f32 v6, v5  }
0x125: {  	v6 =	vld [tilespmem:s21+$0x16007]  }
0x126: {  	v33 =	vld [tilespmem:s21+$0xE023];
	v5 =	vadd.f32 v7, v5  }
0x127: {  	v34 =	vld [tilespmem:s21+$0xF023]  }
0x128: {  	v53 =	vld [tilespmem:s21+$0xE033];
	v5 =	vadd.f32 v9, v5  }
0x129: {  	v35 =	vld [tilespmem:s21+$0xF033]  }
0x12a: {  	v54 =	vld [tilespmem:s21+$0x10014];
	v5 =	vadd.f32 v6, v5  }
0x12b: {  	s20 =	simm.s32 $0x0;
	v36 =	vld [tilespmem:s21+$0x11014]  }
0x12c: {  	s23 =	sand.u32 $0xFC0, s20;
	[tilespmem:s21+$0x18080] =	vst v5;
	v5 =	vld [tilespmem:s21+$0xB001]  }
0x12d: {  	v18 =	vld [tilespmem:s23+$0x9000]  }
0x12e: {  	v55 =	vld [tilespmem:s21+$0x10024]  }
0x12f: {  	v56 =	vld [tilespmem:s21+$0x13025]  }
0x130: {  	v58 =	vld [tilespmem:s21+$0x13035];
	v8 =	vadd.f32 v10, v8  }
0x131: {  	v59 =	vld [tilespmem:s21+$0x14016];
	v10 =	vadd.f32 v12, v11;
	v12 =	vadd.f32 v14, v13  }
0x132: {  	v8 =	vadd.f32 v19, v8;
	v7 =	vld [tilespmem:s21+$0x9020];
	v5 =	vadd.f32 v5, v18  }
0x133: {  	v60 =	vld [tilespmem:s21+$0x15016];
	v10 =	vadd.f32 v21, v10;
	v12 =	vadd.f32 v23, v12  }
0x134: {  	v8 =	vadd.f32 v31, v8;
	v9 =	vld [tilespmem:s21+$0x8030];
	v5 =	vadd.f32 v20, v5  }
0x135: {  	v10 =	vadd.f32 v32, v10;
	v12 =	vadd.f32 v33, v12;
	v6 =	vld [tilespmem:s21+$0x9030]  }
0x136: {  	v61 =	vld [tilespmem:s21+$0x14026];
	v8 =	vadd.f32 v54, v8;
	v5 =	vadd.f32 v22, v5  }
0x137: {  	v11 =	vld [tilespmem:s21+$0x11024];
	v10 =	vadd.f32 v36, v10;
	v7 =	vadd.f32 v15, v7  }
0x138: {  	v12 =	vadd.f32 v55, v12;
	v15 =	vld [tilespmem:s21+$0x12015];
	v5 =	vadd.f32 v24, v5  }
0x139: {  	v13 =	vld [tilespmem:s21+$0x10034];
	v9 =	vadd.f32 v16, v9;
	v7 =	vadd.f32 v25, v7  }
0x13a: {  	v16 =	vld [tilespmem:s21+$0x13015];
	v6 =	vadd.f32 v17, v6;
	v5 =	vadd.f32 v26, v5  }
0x13b: {  	v14 =	vld [tilespmem:s21+$0x11034];
	v9 =	vadd.f32 v27, v9;
	v7 =	vadd.f32 v34, v7  }
0x13c: {  	v17 =	vld [tilespmem:s21+$0x12025];
	v6 =	vadd.f32 v29, v6;
	v5 =	vadd.f32 v28, v5  }
0x13d: {  	v62 =	vld [tilespmem:s21+$0x15026];
	v8 =	vadd.f32 v15, v8;
	v9 =	vadd.f32 v53, v9  }
0x13e: {  	v6 =	vadd.f32 v35, v6;
	v57 =	vadd.f32 v30, v5;
	v5 =	vld [tilespmem:s21+$0x12035]  }
0x13f: {  	v7 =	vadd.f32 v11, v7;
	v10 =	vadd.f32 v16, v10;
	v16 =	vld [tilespmem:s21+$0x15036]  }
0x140: {  	v15 =	vadd.f32 v59, v8;
	v6 =	vadd.f32 v14, v6;
	v14 =	vld [tilespmem:s21+$0x14036]  }
0x141: {  	v9 =	vadd.f32 v13, v9;
	v13 =	vld [tilespmem:s21+$0x16017];
	v12 =	vadd.f32 v17, v12  }
0x142: {  	v11 =	vld [tilespmem:s21+$0x17017];
	v17 =	vadd.f32 v56, v7;
	v6 =	vadd.f32 v58, v6  }
0x143: {  	v10 =	vadd.f32 v60, v10;
	v63 =	vadd.f32 v5, v9;
	v9 =	vld [tilespmem:s21+$0x16027]  }
0x144: {  	s24 =	simm.s32 $0x0;
	v7 =	vadd.f32 v61, v12;
	v12 =	vld [tilespmem:s21+$0x17027];
	v6 =	vadd.f32 v16, v6  }
0x145: {  	s22 =	simm.s32 $0xFC0;
	s25 =	simm.s32 $0x100;
	s26 =	simm.s32 $0x0;
	[tilespmem:s21+$0x19070] =	vst v57;
	v5 =	vadd.f32 v62, v17;
	v8 =	vadd.f32 v14, v63;
	v14 =	vld [tilespmem:s21+$0x16037]  }
.LBB2_10:
0x146: {  	s28 =	sshra.s32 s25, $0x2;
	v13 =	vadd.f32 v13, v15;
	v15 =	vld [tilespmem:s21+$0x17037]  }
0x147: {  	s24 =	sadd.s32 $0x4, s24;
	v16 =	vld [tilespmem:s28+$0x8000];
	v10 =	vadd.f32 v11, v10  }
0x148: {  	p0 =	slt.u32 s24, $0xF8;
	v11 =	vld [tilespmem:s28+$0xA001];
	[tilespmem:s21+$0x18090] =	vst v13;
	v7 =	vadd.f32 v9, v7  }
0x149: {  	v9 =	vld [tilespmem:s28+$0x8010];
	[tilespmem:s23+$0x19080] =	vst v10;
	v5 =	vadd.f32 v12, v5  }
0x14a: {  	v10 =	vld [tilespmem:s28+$0xC002];
	[tilespmem:s21+$0x180A0] =	vst v7;
	v7 =	vadd.f32 v14, v8  }
0x14b: {  	v8 =	vld [tilespmem:s28+$0xA011];
	[tilespmem:s21+$0x19090] =	vst v5;
	v5 =	vadd.f32 v15, v6  }
0x14c: {  	v6 =	vld [tilespmem:s28+$0xE003];
	[tilespmem:s21+$0x180B0] =	vst v7  }
0x14d: {  	v7 =	vadd.f32 v11, v16;
	v11 =	vld [tilespmem:s28+$0x9010];
	[tilespmem:s21+$0x190A0] =	vst v5;
	s21 =	smov.u32 s28  }
0x14e: {  	v5 =	vld [tilespmem:s21+$0x10004]  }
0x14f: {  	v7 =	vadd.f32 v10, v7;
	v10 =	vld [tilespmem:s21+$0xB011]  }
0x150: {  	v12 =	vld [tilespmem:s21+$0x12005];
	v8 =	vadd.f32 v8, v9  }
0x151: {  	v6 =	vadd.f32 v6, v7;
	v7 =	vld [tilespmem:s21+$0x8020]  }
0x152: {  	v9 =	vld [tilespmem:s21+$0x14006]  }
0x153: {  	v5 =	vadd.f32 v5, v6;
	v6 =	vld [tilespmem:s21+$0xA021]  }
0x154: {  	v13 =	vld [tilespmem:s21+$0x16007];
	v10 =	vadd.f32 v10, v11  }
0x155: {  	v5 =	vadd.f32 v12, v5;
	v11 =	vld [tilespmem:s21+$0x9020]  }
0x156: {  	v12 =	vld [tilespmem:s21+$0xB021]  }
0x157: {  	v5 =	vadd.f32 v9, v5;
	v9 =	vld [tilespmem:s21+$0x8030]  }
0x158: {  	v6 =	vadd.f32 v6, v7;
	v7 =	vld [tilespmem:s21+$0xA031]  }
0x159: {  	v5 =	vadd.f32 v13, v5;
	v13 =	vld [tilespmem:s21+$0x9030]  }
0x15a: {  	s26 =	sadd.s32 $0x40, s26;
	v14 =	vld [tilespmem:s21+$0xB031]  }
0x15b: {  	s23 =	sand.u32 $0xFC0, s26;
	[tilespmem:s21+$0x18080] =	vst v5;
	v5 =	vld [tilespmem:s21+$0xB001];
	v11 =	vadd.f32 v12, v11  }
0x15c: {  	v12 =	vld [tilespmem:s23+$0x9000]  }
0x15d: {  	v15 =	vld [tilespmem:s21+$0xC012];
	v7 =	vadd.f32 v7, v9  }
0x15e: {  	v9 =	vld [tilespmem:s21+$0xD002]  }
0x15f: {  	v16 =	vld [tilespmem:s21+$0xD012];
	v13 =	vadd.f32 v14, v13  }
0x160: {  	v14 =	vld [tilespmem:s21+$0xF003]  }
0x161: {  	v5 =	vadd.f32 v5, v12;
	v12 =	vld [tilespmem:s21+$0xC022]  }
0x162: {  	v17 =	vld [tilespmem:s21+$0x11004];
	v8 =	vadd.f32 v15, v8  }
0x163: {  	v5 =	vadd.f32 v9, v5;
	v9 =	vld [tilespmem:s21+$0xD022]  }
0x164: {  	v15 =	vld [tilespmem:s21+$0x13005];
	v10 =	vadd.f32 v16, v10  }
0x165: {  	v5 =	vadd.f32 v14, v5;
	v14 =	vld [tilespmem:s21+$0xC032]  }
0x166: {  	v16 =	vld [tilespmem:s21+$0x15006];
	v6 =	vadd.f32 v12, v6  }
0x167: {  	v5 =	vadd.f32 v17, v5;
	v12 =	vld [tilespmem:s21+$0xD032]  }
0x168: {  	v17 =	vld [tilespmem:s21+$0x17007];
	v9 =	vadd.f32 v9, v11  }
0x169: {  	v5 =	vadd.f32 v15, v5;
	v11 =	vld [tilespmem:s21+$0xE013]  }
0x16a: {  	v15 =	vld [tilespmem:s21+$0xF013];
	v7 =	vadd.f32 v14, v7  }
0x16b: {  	v5 =	vadd.f32 v16, v5;
	v14 =	vld [tilespmem:s21+$0xE023]  }
0x16c: {  	v16 =	vld [tilespmem:s21+$0xF023];
	v12 =	vadd.f32 v12, v13  }
0x16d: {  	v5 =	vadd.f32 v17, v5;
	v13 =	vld [tilespmem:s21+$0xE033]  }
0x16e: {  	v8 =	vadd.f32 v11, v8;
	v11 =	vld [tilespmem:s21+$0xF033]  }
0x16f: {  	[tilespmem:s21+$0x19070] =	vst v5;
	v5 =	vld [tilespmem:s21+$0x10014];
	v10 =	vadd.f32 v15, v10  }
0x170: {  	v15 =	vld [tilespmem:s21+$0x11014];
	v6 =	vadd.f32 v14, v6  }
0x171: {  	v14 =	vld [tilespmem:s21+$0x10024];
	v9 =	vadd.f32 v16, v9  }
0x172: {  	v16 =	vld [tilespmem:s21+$0x11024];
	v7 =	vadd.f32 v13, v7  }
0x173: {  	v13 =	vld [tilespmem:s21+$0x10034];
	v11 =	vadd.f32 v11, v12  }
0x174: {  	v5 =	vadd.f32 v5, v8;
	v8 =	vld [tilespmem:s21+$0x11034]  }
0x175: {  	v12 =	vld [tilespmem:s21+$0x12015];
	v10 =	vadd.f32 v15, v10  }
0x176: {  	v15 =	vld [tilespmem:s21+$0x13015];
	v6 =	vadd.f32 v14, v6  }
0x177: {  	v14 =	vld [tilespmem:s21+$0x12025];
	v9 =	vadd.f32 v16, v9  }
0x178: {  	v16 =	vld [tilespmem:s21+$0x13025];
	v7 =	vadd.f32 v13, v7  }
0x179: {  	v13 =	vld [tilespmem:s21+$0x12035];
	v8 =	vadd.f32 v8, v11  }
0x17a: {  	v5 =	vadd.f32 v12, v5;
	v11 =	vld [tilespmem:s21+$0x13035]  }
0x17b: {  	v12 =	vld [tilespmem:s21+$0x14016];
	v10 =	vadd.f32 v15, v10  }
0x17c: {  	v17 =	vld [tilespmem:s21+$0x15016];
	v6 =	vadd.f32 v14, v6  }
0x17d: {  	v14 =	vld [tilespmem:s21+$0x14026];
	v16 =	vadd.f32 v16, v9  }
0x17e: {  	v18 =	vld [tilespmem:s21+$0x15026];
	v19 =	vadd.f32 v13, v7  }
0x17f: {  	v20 =	vld [tilespmem:s21+$0x14036];
	v21 =	vadd.f32 v11, v8  }
0x180: {  	v15 =	vadd.f32 v12, v5;
	v22 =	vld [tilespmem:s21+$0x15036]  }
.Ltmp4:
0x181: {  	v13 =	vld [tilespmem:s21+$0x16017];
	v10 =	vadd.f32 v17, v10;
	(pc) =	sbr.rel @p0 .LBB2_10-.Ltmp4, $4  }
0x182: {  	v11 =	vld [tilespmem:s21+$0x17017];
	v7 =	vadd.f32 v14, v6  }
0x183: {  	v9 =	vld [tilespmem:s21+$0x16027];
	v5 =	vadd.f32 v18, v16  }
0x184: {  	v12 =	vld [tilespmem:s21+$0x17027];
	v8 =	vadd.f32 v20, v19  }
0x185: {  	s25 =	sadd.s32 $0x100, s25;
	v14 =	vld [tilespmem:s21+$0x16037];
	v6 =	vadd.f32 v22, v21  }
0x186: {  	v13 =	vadd.f32 v13, v15;
	v63 =	vld [tilespmem:s21+$0x17037]  }
0x187: {  	v10 =	vadd.f32 v11, v10  }
0x188: {  	[tilespmem:s21+$0x18090] =	vst v13;
	v7 =	vadd.f32 v9, v7  }
0x189: {  	[tilespmem:s23+$0x19080] =	vst v10;
	v5 =	vadd.f32 v12, v5  }
0x18a: {  	[tilespmem:s21+$0x180A0] =	vst v7;
	v7 =	vadd.f32 v14, v8  }
0x18b: {  	[tilespmem:s21+$0x19090] =	vst v5;
	v5 =	vadd.f32 v63, v6  }
0x18c: {  	[tilespmem:s21+$0x180B0] =	vst v7  }
0x18d: {  	[tilespmem:s21+$0x190A0] =	vst v5  }
.LBB2_12:
0x18e: {  	s21 =	sshra.s32 s20, $0x2  }
0x18f: {  	v5 =	vld [tilespmem:s21+$0x8FC0]  }
0x190: {  	v6 =	vld [tilespmem:s21+$0xAFC1];
	_ =	sdelay $0x1  }
0x191: {  	v7 =	vld [tilespmem:s21+$0xCFC2];
	_ =	sdelay $0x1  }
0x192: {  	v8 =	vld [tilespmem:s21+$0xEFC3]  }
0x193: {  	v5 =	vadd.f32 v6, v5  }
0x194: {  	v6 =	vld [tilespmem:s21+$0x10FC4]  }
0x195: {  	v5 =	vadd.f32 v7, v5  }
0x196: {  	v7 =	vld [tilespmem:s21+$0x12FC5]  }
0x197: {  	v5 =	vadd.f32 v8, v5  }
0x198: {  	v61 =	vld [tilespmem:s21+$0x14FC6]  }
0x199: {  	v5 =	vadd.f32 v6, v5  }
0x19a: {  	v6 =	vld [tilespmem:s21+$0x16FC7]  }
0x19b: {  	v5 =	vadd.f32 v7, v5;
	_ =	sdelay $0x1  }
0x19c: {  	v5 =	vadd.f32 v61, v5;
	_ =	sdelay $0x1  }
0x19d: {  	v5 =	vadd.f32 v6, v5  }
0x19e: {  	s23 =	sand.u32 $0x3FFFFF80, s22  }
0x19f: {  	s23 =	sadd.s32 s21, s23;
	v6 =	vld [tilespmem:s21+$0xBFC1];
	[tilespmem:s21+$0x19040] =	vst v5  }
0x1a0: {  	v5 =	vld [tilespmem:s23+$0x9040];
	_ =	sdelay $0x1  }
0x1a1: {  	v7 =	vld [tilespmem:s21+$0xDFC2];
	_ =	sdelay $0x1  }
0x1a2: {  	v62 =	vld [tilespmem:s21+$0xFFC3]  }
0x1a3: {  	v5 =	vadd.f32 v6, v5  }
0x1a4: {  	v6 =	vld [tilespmem:s21+$0x11FC4]  }
0x1a5: {  	v5 =	vadd.f32 v7, v5  }
0x1a6: {  	v7 =	vld [tilespmem:s21+$0x13FC5]  }
0x1a7: {  	v5 =	vadd.f32 v62, v5  }
0x1a8: {  	v63 =	vld [tilespmem:s21+$0x15FC6]  }
0x1a9: {  	v5 =	vadd.f32 v6, v5  }
0x1aa: {  	v6 =	vld [tilespmem:s21+$0x17FC7]  }
0x1ab: {  	v5 =	vadd.f32 v7, v5  }
0x1ac: {  	p0 =	sne.s32 s20, $0x80  }
.Ltmp5:
0x1ad: {  	v5 =	vadd.f32 v63, v5;
	(pc) =	sbr.rel @p0 .LBB2_12-.Ltmp5, $3  }
0x1ae: {  	_ = 	snop  }
0x1af: {  	v5 =	vadd.f32 v6, v5;
	_ =	sdelay $0x1  }
0x1b0: {  	s22 =	sadd.s32 $0x10, s22;
	s20 =	sadd.s32 $0x40, s20;
	[tilespmem:s21+$0x1A030] =	vst v5  }
0x1b1: {  	v4 =	vcvt.s32.f32 v4;
	s19 =	sadd.s32 $0x1, s19  }
0x1b2: {  	p0 =	sne.s32 s19, s10  }
.Ltmp6:
0x1b3: {  	[tilespmem:$0x1A060] =	vst v4;
	(pc) =	sbr.rel @p0 .LBB2_1-.Ltmp6, $4  }
0x1b4: {  	[hbm4b:s9+s4] =	stream.linear.scatter [tilespmem:s17], [sflag:$0x3], $0x1FF0, $0x38;
	[tilespmem:$0x1A080] =	vst v63  }
0x1b5: {  	_ =	swait.ge [sflag:s18], $0x1FF0  }
0x1b6: {  	[sflag:s18] =	ssyncset.done $0x0  }
0x1b7: {  	[sflag:s18] =	ssyncadd.s32 $0xFFFFE010  }
0x1b8: {  	_ =	sfence.sel $0x180000  }
0x1b9: {  	[bflag:$0x0] =	sbarrier.arrive $0xFFFF  }
0x1ba: {  	p0 =	sne.s32 s0, $0x0;
	_ =	strace $0x90000047  }
0x1bb: {  	s0 =	sadd.s32 @!p0 $0x100000, s3;
	[bflag:$0x2] =	sbarrier.arrive $0xFFFF  }
0x1bc: {  	[sflag:s0] =	ssyncadd.tile.s32 @!p0 $0x1;
	_ =	shalt  }
.Lfunc_end2:
_tile_overlayer_lowered:
.L_overlay_start_2:
0x1bd: {  	(tag) =	ssettag $0x2  }
0x1be: {  	s0 =	rddreg [dreg:$0x0];
	s2 =	stileid.u32  }
0x1bf: {  	s1 =	rddreg [dreg:$0x1];
	p0 =	sne.s32 s2, $0x0  }
0x1c0: {  	s3 =	rddreg [dreg:$0x2];
	[bflag:$0x3] =	sbarrier.arrive $0xFFFF;
	s2 =	simm.s32 @!p0 $0x1C03  }
0x1c1: {  	[timem:s3], [sflag:s2] =	dma.local @!p0 [hbm:s0], s1  }
0x1c2: {  	s0 =	simm.s32 @!p0 $0x3  }
0x1c3: {  	_ =	swait.ge @!p0 [sflag:s0], s1  }
0x1c4: {  	s1 =	ssub.s32 @!p0 $0x0, s1;
	[sflag:s0] =	ssyncset.done @!p0 $0x0  }
0x1c5: {  	[sflag:s0] =	ssyncadd.s32 @!p0 s1  }
0x1c6: {  	[bflag:$0x3] =	sbarrier.arrive $0xFFFF  }
0x1c7: {  	_ =	shalt  }

// kernel: kernel.8.cloned.1.call-start
scs
__scs_entry_jumppad:
0x0: {  	(pc) =	sbr.rel $0x88, $3  }
0x1: {  	(tag) =	ssettag $0x0;
	lr =	simm.s32 $0x1  }
0x2: {  	[smem:$0x3F9F] =	sst lr;
	_ =	strace $0xD0000000  }
0x3: {  	_ = 	snop  }
0x4: {  	_ = 	snop  }
0x5: {  	_ = 	snop  }
0x6: {  	_ = 	snop  }
0x7: {  	_ = 	snop  }
__scs_overlays_trampoline_lowered:
0x8: {  	[smem:$0x3FAE] =	sst s0  }
0x9: {  	[smem:$0x3FAF] =	sst s1  }
0xa: {  	[smem:$0x3FB0] =	sst s2  }
0xb: {  	[smem:$0x3FB1] =	sst s3  }
0xc: {  	[smem:$0x3FB2] =	sst s4  }
0xd: {  	[smem:$0x3FB3] =	sst s5  }
0xe: {  	[smem:$0x3FB4] =	sst s6  }
0xf: {  	[smem:$0x3FB5] =	sst s7  }
0x10: {  	[smem:$0x3FB6] =	sst s8  }
0x11: {  	[smem:$0x3FB7] =	sst s9;
	s0 =	simm.s32 @!p0 $0x0  }
0x12: {  	s1 =	sld [smem:$0x3F9D];
	s0 =	simm.s32 @p0 $0x1  }
0x13: {  	[smem:$0x3FB8] =	sst s0;
	s0 =	simm.s32 @!p1 $0x0  }
0x14: {  	s2 =	sld [smem:$0x3F9C];
	s0 =	simm.s32 @p1 $0x1  }
0x15: {  	[smem:$0x3FB9] =	sst s0;
	s0 =	simm.s32 @!p2 $0x0  }
0x16: {  	s3 =	sld [smem:$0x3FDB];
	s0 =	simm.s32 @p2 $0x1  }
0x17: {  	s4 =	simm.s32 $0x1BF5;
	[smem:$0x3FBB] =	sst s0  }
0x18: {  	s0 =	sld [smem:$0x3F9E];
	_ =	swait.ge [sflag:s4], $0x0  }
0x19: {  	s7 =	sld [smem:$0x3F9F]  }
0x1a: {  	s8 =	sadd.s32 $0xFFFFE003, lr  }
0x1b: {  	s9 =	sadd.s32 $0xFFFFFEF7, lr;
	s5 =	simm.s32 $0xFFFFFFFF;
	p2 =	slt.u32 s8, $0xFFFFF086  }
0x1c: {  	p1 =	slt.u32 s9, $0xF7A;
	s5 =	simm.s32 @!p2 $0x0  }
0x1d: {  	s5 =	simm.s32 @p1 $0x1;
	p0 =	seq.s32 s7, s2  }
0x1e: {  	s7 =	smul.u32 @!p0 $0xF7A, s2;
	p2 =	seq.s32 @!p0 s5, $0x0  }
0x1f: {  	s9 =	smul.u32 $0xF7A, s1;
	s8 =	simm.s32 @!p0 $0x1BF5;
	p2 =	por !p2, p0  }
0x20: {  	[sflag:s8] =	ssyncset.s32 @!p0 $0xFFFFF086;
	s6 =	sadd.s32 @!p0 s3, s7;
	s7 =	simm.s32 @!p0 $0x108  }
0x21: {  	s3 =	sadd.s32 s3, s9;
	s6 =	sadd.s32 @!p0 $0x88, s6;
	s7 =	simm.s32 @p2 $0x1082  }
0x22: {  	[simem:s7], [sflag:s8] =	dma.local @!p0 [hbm:s6], $0xF7A  }
0x23: {  	s9 =	sor.u32 $0xD0000000, s2;
	s6 =	simm.s32 $0x108;
	_ =	swait.ge @!p0 [sflag:s8], $0x0  }
0x24: {  	s3 =	sadd.s32 $0x88, s3;
	s6 =	simm.s32 @!p1 $0x1082;
	[sflag:s4] =	ssyncset.s32 $0xFFFFF086  }
0x25: {  	[simem:s6], [sflag:s4] =	dma.local [hbm:s3], $0xF7A  }
0x26: {  	[smem:$0x3F9F] =	sst s1;
	(tag) =	ssettag s2;
	_ =	strace s9  }
0x27: {  	s1 =	sld [smem:$0x3FAF]  }
0x28: {  	s2 =	sld [smem:$0x3FB0]  }
0x29: {  	s4 =	sld [smem:$0x3FB2]  }
0x2a: {  	p0 =	seq.s32 s5, $0x0;
	s5 =	sld [smem:$0x3FB3]  }
0x2b: {  	s6 =	sld [smem:$0x3FB4]  }
0x2c: {  	s7 =	sld [smem:$0x3FB5]  }
0x2d: {  	s3 =	simm.s32 $0x108;
	s8 =	sld [smem:$0x3FB6]  }
0x2e: {  	s3 =	simm.s32 @!p0 $0x1082;
	s9 =	sld [smem:$0x3FB7]  }
0x2f: {  	lr =	sadd.s32 s0, s3;
	s0 =	sld [smem:$0x3FAE]  }
0x30: {  	s3 =	sld [smem:$0x3FB1]  }
0x31: {  	[smem:$0x3FBA] =	sst s10  }
0x32: {  	s10 =	sld [smem:$0x3FB8];
	_ =	sdelay $0x3  }
0x33: {  	p0 =	seq.s32 s10, $0x1;
	s10 =	sld [smem:$0x3FBA];
	_ =	sdelay $0x3  }
0x34: {  	[smem:$0x3FBA] =	sst s10  }
0x35: {  	s10 =	sld [smem:$0x3FB9];
	_ =	sdelay $0x3  }
0x36: {  	p1 =	seq.s32 s10, $0x1;
	s10 =	sld [smem:$0x3FBA];
	_ =	sdelay $0x3  }
0x37: {  	[smem:$0x3FBA] =	sst s10  }
0x38: {  	s10 =	sld [smem:$0x3FBB]  }
0x39: {  	_ = 	snop;
	(pc) =	sbr.ind lr, $3  }
0x3a: {  	_ = 	snop  }
0x3b: {  	_ = 	snop  }
0x3c: {  	p2 =	seq.s32 s10, $0x1;
	s10 =	sld [smem:$0x3FBA]  }
0x3d: {  	_ =	shalt  }
0x3e: {  	_ =	shalt  }
0x3f: {  	_ =	shalt  }
0x40: {  	_ =	shalt  }
0x41: {  	_ =	shalt  }
0x42: {  	_ =	shalt  }
0x43: {  	_ =	shalt  }
0x44: {  	_ =	shalt  }
0x45: {  	_ =	shalt  }
0x46: {  	_ =	shalt  }
0x47: {  	_ =	shalt  }
0x48: {  	_ =	shalt  }
0x49: {  	_ =	shalt  }
0x4a: {  	_ =	shalt  }
0x4b: {  	_ =	shalt  }
0x4c: {  	_ =	shalt  }
0x4d: {  	_ =	shalt  }
0x4e: {  	_ =	shalt  }
0x4f: {  	_ =	shalt  }
0x50: {  	_ =	shalt  }
0x51: {  	_ =	shalt  }
0x52: {  	_ =	shalt  }
0x53: {  	_ =	shalt  }
0x54: {  	_ =	shalt  }
0x55: {  	_ =	shalt  }
0x56: {  	_ =	shalt  }
0x57: {  	_ =	shalt  }
0x58: {  	_ =	shalt  }
0x59: {  	_ =	shalt  }
0x5a: {  	_ =	shalt  }
0x5b: {  	_ =	shalt  }
0x5c: {  	_ =	shalt  }
0x5d: {  	_ =	shalt  }
0x5e: {  	_ =	shalt  }
0x5f: {  	_ =	shalt  }
0x60: {  	_ =	shalt  }
0x61: {  	_ =	shalt  }
0x62: {  	_ =	shalt  }
0x63: {  	_ =	shalt  }
0x64: {  	_ =	shalt  }
0x65: {  	_ =	shalt  }
0x66: {  	_ =	shalt  }
0x67: {  	_ =	shalt  }
0x68: {  	_ =	shalt  }
0x69: {  	_ =	shalt  }
0x6a: {  	_ =	shalt  }
0x6b: {  	_ =	shalt  }
0x6c: {  	_ =	shalt  }
0x6d: {  	_ =	shalt  }
0x6e: {  	_ =	shalt  }
0x6f: {  	_ =	shalt  }
0x70: {  	_ =	shalt  }
0x71: {  	_ =	shalt  }
0x72: {  	_ =	shalt  }
0x73: {  	_ =	shalt  }
0x74: {  	_ =	shalt  }
0x75: {  	_ =	shalt  }
0x76: {  	_ =	shalt  }
0x77: {  	_ =	shalt  }
0x78: {  	_ =	shalt  }
0x79: {  	_ =	shalt  }
0x7a: {  	_ =	shalt  }
0x7b: {  	_ =	shalt  }
0x7c: {  	_ =	shalt  }
0x7d: {  	_ =	shalt  }
0x7e: {  	_ =	shalt  }
0x7f: {  	_ =	shalt  }
0x80: {  	_ =	shalt  }
0x81: {  	_ =	shalt  }
0x82: {  	_ =	shalt  }
0x83: {  	_ =	shalt  }
0x84: {  	_ =	shalt  }
0x85: {  	_ =	shalt  }
0x86: {  	_ =	shalt  }
0x87: {  	_ =	shalt  }
.Lfunc_end0:
.L_simem_size_0:
called_computation.1_lowered:
.L_overlay_start_0:
0x88: {  	s2 =	sld [smem:$0x3FD9]  }
0x89: {  	s3 =	sld [smem:$0x3FFE];
	_ =	sdelay $0x1  }
0x8a: {  	s1 =	srdreg.scid  }
0x8b: {  	s0 =	sand.u32 $0x1, s1  }
0x8c: {  	s16 =	sshll.u32 s0, $0xA;
	s2 =	sadd.s32 s3, s2  }
0x8d: {  	s2 =	sadd.s32 s2, s16  }
0x8e: {  	[smem:$0x3FC6] =	sst s2  }
0x8f: {  	_ = 	snop  }
0x90: {  	(tm) =	ssettm $0x1  }
0x91: {  	s17 =	sld [smem:$0x3FFB];
	_ =	sdelay $0x3  }
0x92: {  	_ =	strace s17  }
0x93: {  	s2 =	sld [smem:$0x3FFC];
	_ =	sdelay $0x3  }
0x94: {  	_ =	strace s2  }
0x95: {  	s2 =	sld [smem:$0x3FFD];
	_ =	sdelay $0x3  }
0x96: {  	_ =	strace s2  }
0x97: {  	_ =	strace $0x8FFFFFFF  }
0x98: {  	s18 =	sld [smem:$0x3FDB];
	_ =	sdelay $0x1  }
0x99: {  	s19 =	simm.s32 $_scs_section_size  }
0x9a: {  	s4 =	simm.s32 $_size__tile_overlayer_lowered;
	s5 =	simm.s32 $_tile_overlayer_lowered  }
0x9b: {  	s22 =	simm.s32 $0x1BFF;
	s21 =	sshll.u32 s5, $0x1;
	s2 =	sadd.s32 s19, s18  }
0x9c: {  	s6 =	simm.s32 $0x0;
	s20 =	sshll.u32 s4, $0x1;
	s4 =	sadd.s32 s21, s2  }
0x9d: {  	[timem:s6], [sflag:s22] =	dma.local [hbm:s4], s20  }
0x9e: {  	_ =	swait.ge [sflag:s22], s20  }
0x9f: {  	s3 =	ssub.s32 $0x0, s20;
	[sflag:s22] =	ssyncset.done $0x0  }
0xa0: {  	[sflag:s22] =	ssyncadd.s32 s3;
	_ =	sdelay $0x1  }
0xa1: {  	s23 =	simm.s32 $0x1B8B  }
0xa2: {  	_ =	swait.ge [sflag:s23], $0x1  }
0xa3: {  	[sflag:s23] =	ssyncset.done $0x0  }
0xa4: {  	s25 =	simm.s32 $0x1B8E;
	s24 =	sld [smem:$0x3FFE];
	[sflag:s23] =	ssyncadd.s32 $0xFFFFFFFF  }
0xa5: {  	s26 =	simm.s32 $execute0_lowered;
	[smem:$0x3FD2] =	sst s25  }
0xa6: {  	s4 =	sshll.u32 s26, $0x1;
	_ =	strace $0x80000049;
	[dreg:$0x1] =	wrdreg $0xFFFFFFFF  }
0xa7: {  	s28 =	simm.s32 $_size_execute0_lowered;
	s2 =	sadd.s32 s2, s4;
	[dreg:$0x0] =	wrdreg $0x0  }
0xa8: {  	s4 =	sshll.u32 s28, $0x1;
	[dreg:$0x2] =	wrdreg s2  }
0xa9: {  	[dreg:$0x3] =	wrdreg s4  }
0xaa: {  	[dreg:$0x4] =	wrdreg $0xC0  }
0xab: {  	_ =	task [dreg:s6], $0x5FFFF  }
0xac: {  	[dreg:$0x1] =	wrdreg $0xFFFFFFFF  }
0xad: {  	[dreg:$0x0] =	wrdreg $0x60  }
0xae: {  	[dreg:$0x2] =	wrdreg s24  }
0xaf: {  	[dreg:$0x3] =	wrdreg $0x9  }
0xb0: {  	_ =	task.clear_ibuf [dreg:s6], $0x4FFFF;
	_ =	strace $0x90000049  }
0xb1: {  	s29 =	simm.s32 $0x9;
	_ =	strace $0x8000004B  }
0xb2: {  	_ =	swait.ge [sflag:s29], $0x1  }
0xb3: {  	[sflag:s29] =	ssyncadd.s32 $0xFFFFFFFF  }
0xb4: {  	_ =	strace $0x9000004B  }
0xb5: {  	_ =	sfence  }
0xb6: {  	s30 =	sld [smem:$0x0];
	_ =	sdelay $0x2  }
0xb7: {  	s31 =	sshll.u32 s1, $0xD;
	s1 =	sshrl.u32 s1, $0x2  }
0xb8: {  	s3 =	sand.u32 $0x4000, s31;
	s1 =	sadd.s32 s1, s30  }
0xb9: {  	s0 =	sor.u32 s3, s0;
	s1 =	sshll.u32 s1, $0x11  }
0xba: {  	s0 =	sor.u32 s1, s0  }
0xbb: {  	s0 =	sadd.s32 $0x8F2B, s0  }
0xbc: {  	[sflag:s0] =	ssyncadd.remote.s32 $0x1  }
0xbd: {  	_ =	sfence.sel $0xFFFF  }
0xbe: {  	[dreg:$0x0] =	wrdreg $0xFFFFFFFF;
	(pc) =	sbr.abs _section_cstart, $3  }
0xbf: {  	[dreg:$0x1] =	wrdreg $0xFFFFFFFF  }
0xc0: {  	_ =	task.clear_ibuf [dreg:s6], $0x2FFFF;
	_ =	strace $0x9FFFFFFF  }
0xc1: {  	(tm) =	ssettm $0x7FFFFFFF  }
tec
execute0_lowered:
.L_overlay_start_1:
0x0: {  	(tag) =	ssettag $0x1  }
0x1: {  	s1 =	srdreg.scid  }
0x2: {  	s0 =	stileid.u32;
	s4 =	rddreg [dreg:$0x0]  }
0x3: {  	s3 =	simm.s32 $0x1;
	s2 =	simm.s32 $0x0;
	s7 =	sand.u32 $0x1, s1  }
0x4: {  	[smem:$0x7FF] =	sst s2;
	s8 =	sadd.s32 $0x800, s4;
	s1 =	sor.u32 s7, s0  }
0x5: {  	p1 =	seq.s32 s7, $0x1;
	s5 =	sshll.u32 s7, $0x8;
	p0 =	seq.s32 s1, $0x0  }
0x6: {  	s29 =	sxor.u32 $0x1, s7;
	s30 =	smul.u32 $0x3FC0, s7;
	p0 =	por !p0, !p1  }
0x7: {  	s25 =	ssub.s32 $0x2, s7;
	s12 =	smul.u32 $0x3FC0, s29;
	p0 =	por !p0, !p0  }
0x8: {  	s1 =	rddreg [dreg:$0x1];
	_ =	strace $0x8000004A;
	s3 =	simm.s32 @!p0 $0x0  }
0x9: {  	s9 =	sshrl.u32 s25, $0x1;
	s31 =	sshrl.u32 s12, $0x2;
	s3 =	ssub.s32 s0, s3  }
0xa: {  	s9 =	ssub.s32 s25, s9;
	s12 =	sadd.s32 $0xFE0, s31;
	s10 =	smul.u32 $0x1FF0, s3  }
0xb: {  	s9 =	smax.u32 s9, $0x1;
	s15 =	sadd.s32 $0x2FE0, s31;
	v1 =	vmov s12;
	s12 =	simm.s32 $0x0  }
0xc: {  	s6 =	sshll.u32 s3, $0x4;
	s3 =	simm.s32 $0x1;
	s28 =	sadd.s32 $0x1FF00, s10  }
0xd: {  	v2 =	vmov s15;
	s5 =	sadd.s32 s5, s6;
	s26 =	sshrl.u32 s10, $0x3;
	s10 =	sshrl.u32 s28, $0x3  }
0xe: {  	s5 =	sshrl.u32 s5, $0x3;
	s6 =	sadd.s32 s8, s10;
	s10 =	sshrl.u32 s30, $0x2  }
0xf: {  	s11 =	sadd.s32 s5, s4;
	s4 =	scvt.s32.f32 s7;
	s13 =	sadd.s32 $0xFE0, s10  }
0x10: {  	v0 =	vlaneseq.u32;
	s5 =	sadd.s32 s8, s26;
	s8 =	sadd.s32 $0x8800, s11;
	s14 =	sadd.s32 $0x2FE0, s10;
	v3 =	vmov s13  }
0x11: {  	v0 =	vmul.u32 $0x80000, v0;
	s11 =	simm.s32 $0x4000;
	s7 =	ssub.f32 $1.000000000e+00, s4;
	s10 =	simm.s32 $0x2000;
	v4 =	vmov s14  }
.LBB2_1:
0x12: {  	[tilespmem:s2], [sflag:$0x1] =	stream.linear.gather [hbm4b:s5+s2], $0x1FF0, $0x38;
	[tilespmem:$0x4080] =	vst v63  }
0x13: {  	_ =	swait.ge [sflag:s3], $0x1FF0  }
0x14: {  	[sflag:s3] =	ssyncset.done $0x0  }
0x15: {  	[sflag:s3] =	ssyncadd.s32 $0xFFFFE010  }
0x16: {  	[tilespmem:s10], [sflag:$0x1] =	stream.linear.gather [hbm4b:s6+s2], $0x1FF0, $0x38;
	[tilespmem:$0x4080] =	vst v63  }
0x17: {  	_ =	swait.ge [sflag:s3], $0x1FF0  }
0x18: {  	[sflag:s3] =	ssyncset.done $0x0  }
0x19: {  	[sflag:s3] =	ssyncadd.s32 $0xFFFFE010  }
0x1a: {  	v5 =	vld [tilespmem:$0x1FE0]  }
0x1b: {  	v6 =	vld [tilespmem:$0x3FE0];
	_ =	sdelay $0x4  }
0x1c: {  	v5 =	vadd.f32 v6, v5;
	_ =	sdelay $0x1  }
0x1d: {  	(xrf2) =	vadd.scan.msk.f32 $0xffff, v5;
	_ =	sdelay $0x2  }
0x1e: {  	s13 =	simm.s32 $0x0  }
0x1f: {  	v6 =	vld.idx.msk [tilespmem:v4+s13+$0x0 ss:$0x1], $0xffff  }
0x20: {  	v5 =	vld.idx.msk [tilespmem:v3+s13+$0x0 ss:$0x1], $0xffff;
	_ =	sdelay $0x4  }
0x21: {  	s25 =	simm.s32 $0xFFFFFFF0;
	v6 =	vadd.f32 v6, v5;
	v7, _, _ =	vpop (xrf2)  }
0x22: {  	v8 =	vld.idx.msk [tilespmem:v3+s25+$0x0 ss:$0x1], $0xffff;
	(v2sf) =	vpush v7, $0xF  }
0x23: {  	v5 =	vld.idx.msk [tilespmem:v1+s13+$0x0 ss:$0x1], $0xffff;
	(xrf2) =	vadd.scan.msk.f32 $0xffff, v6  }
0x24: {  	v7 =	vld.idx.msk [tilespmem:v2+s13+$0x0 ss:$0x1], $0xffff  }
0x25: {  	v9 =	vld.idx.msk [tilespmem:v4+s25+$0x0 ss:$0x1], $0xffff;
	_ =	sdelay $0x3  }
0x26: {  	v10 =	vadd.f32 v7, v5  }
0x27: {  	v8 =	vadd.f32 v9, v8  }
0x28: {  	(xrf2) =	vadd.scan.msk.f32 $0xffff, v10  }
0x29: {  	(xrf2) =	vadd.scan.msk.f32 $0xffff, v8  }
0x2a: {  	v5 =	vld.idx.msk [tilespmem:v1+s25+$0x0 ss:$0x1], $0xffff;
	v9, _, _ =	vpop (xrf2)  }
0x2b: {  	s26 =	simm.s32 $0xFFFFFFE0;
	v7 =	vld.idx.msk [tilespmem:v2+s25+$0x0 ss:$0x1], $0xffff;
	(v2sf) =	vpush v9, $0xF  }
0x2c: {  	v11 =	vld.idx.msk [tilespmem:v3+s26+$0x0 ss:$0x1], $0xffff  }
0x2d: {  	v12 =	vld.idx.msk [tilespmem:v4+s26+$0x0 ss:$0x1], $0xffff  }
0x2e: {  	s14 =	spop (v2sf)  }
0x2f: {  	s15 =	ssub.f32 $2.621440000e+05, s14  }
0x30: {  	v14 =	vadd.f32 v7, v5;
	v5 =	vbroadcast v9, $0xF;
	s14 =	smul.f32 s14, s7  }
0x31: {  	s15 =	smul.f32 s4, s15  }
0x32: {  	v12 =	vadd.f32 v12, v11;
	v5 =	vsub.f32 v5, v9;
	v11, _, _ =	vpop (xrf2)  }
0x33: {  	s28 =	simm.f32 $0.0e+00;
	v13 =	vld.idx.msk [tilespmem:v2+s26+$0x0 ss:$0x1], $0xffff;
	(xrf2) =	vadd.scan.msk.f32 $0xffff, v14;
	v9, _, _ =	vpop (xrf2);
	s15 =	sadd.f32 s15, s14  }
0x34: {  	v7 =	vld.idx.msk [tilespmem:v1+s26+$0x0 ss:$0x1], $0xffff;
	v15 =	vadd.f32 s28, v5;
	(xrf2) =	vadd.scan.msk.f32 $0xffff, v12;
	(v2sf) =	vpush v9, $0xF  }
0x35: {  	s29 =	simm.s32 $0xFFFFFFD0;
	v5 =	vmov s15  }
0x36: {  	v16 =	vld.idx.msk [tilespmem:v3+s29+$0x0 ss:$0x1], $0xffff;
	(v2sf) =	vpush v11, $0xF;
	v15 =	vadd.f32 v15, v5  }
0x37: {  	v17 =	vld.idx.msk [tilespmem:v4+s29+$0x0 ss:$0x1], $0xffff  }
0x38: {  	v6 =	vadd.f32 v15, v6  }
0x39: {  	v7 =	vadd.f32 v13, v7;
	v18 =	vbroadcast v9, $0xF;
	v13 =	vmax.f32 v15, $1.000000000e+00  }
0x3a: {  	s30 =	spop (v2sf);
	v15 =	vbroadcast v11, $0xF;
	(erf) = vrcp.f32 v13;
	v6 =	vmax.f32 v6, $1.000000000e+00  }
0x3b: {  	v13 =	vsub.f32 v18, v9;
	s15 =	sadd.f32 s30, s28;
	(erf) = vrcp.f32 v6  }
0x3c: {  	v9 =	vadd.f32 v17, v16;
	v17 =	vld.idx.msk [tilespmem:v2+s29+$0x0 ss:$0x1], $0xffff;
	v11 =	vsub.f32 v15, v11  }
0x3d: {  	(xrf2) =	vadd.scan.msk.f32 $0xffff, v7;
	v16, _, _ =	vpop (xrf2);
	v6 =	vld.idx.msk [tilespmem:v1+s29+$0x0 ss:$0x1], $0xffff;
	v13 =	vadd.f32 s15, v13  }
0x3e: {  	(xrf2) =	vadd.scan.msk.f32 $0xffff, v9;
	v15, _, _ =	vpop (xrf2);
	v11 =	vadd.f32 s28, v11  }
0x3f: {  	s16 =	simm.s32 $0xFFFFFFC0;
	(v2sf) =	vpush v15, $0xF;
	v13 =	vadd.f32 v13, v5  }
0x40: {  	v19 =	vld.idx.msk [tilespmem:v4+s16+$0x0 ss:$0x1], $0xffff;
	(v2sf) =	vpush v16, $0xF  }
0x41: {  	v18 =	vld.idx.msk [tilespmem:v3+s16+$0x0 ss:$0x1], $0xffff;
	v20 =	vsub.f32 v5, v11;
	v8 =	vadd.f32 v13, v8;
	v13 =	vmax.f32 v13, $1.000000000e+00  }
0x42: {  	v21 =	vbroadcast v16, $0xF;
	v11 =	vbroadcast v15, $0xF;
	v6 =	vadd.f32 v17, v6  }
0x43: {  	v10 =	vsub.f32 v20, v10;
	s31 =	spop (v2sf);
	v17 =	vpop (erf)  }
0x44: {  	v16 =	vsub.f32 v21, v16;
	v15 =	vsub.f32 v11, v15;
	(erf) = vrcp.f32 v13;
	(xrf2) =	vadd.scan.msk.f32 $0xffff, v6;
	s15 =	sadd.f32 s31, s15;
	v13 =	vpop (erf)  }
0x45: {  	v8 =	vmax.f32 v8, $1.000000000e+00;
	s17 =	spop (v2sf);
	v17 =	vmul.f32 v17, v20;
	v10 =	vmul.f32 v13, v10  }
0x46: {  	s13 =	simm.s32 $0xFE0;
	v11 =	vadd.f32 v19, v18;
	s14 =	sadd.f32 s17, s28;
	(erf) = vrcp.f32 v8;
	v15 =	vadd.f32 s15, v15  }
0x47: {  	v18 =	vld.idx.msk [tilespmem:v2+s16+$0x0 ss:$0x1], $0xffff;
	v19 =	vmov s13;
	v13, _, _ =	vpop (xrf2);
	v17 =	vadd.f32 $-1.000000000e+00, v17;
	v10 =	vsub.f32 $1.000000000e+00, v10  }
0x48: {  	v19 =	vshll.u32 v19, $0x13;
	v8 =	vld.idx.msk [tilespmem:v1+s16+$0x0 ss:$0x1], $0xffff;
	v16 =	vadd.f32 s14, v16;
	v21, _, _ =	vpop (xrf2);
	v20 =	vadd.f32 v15, v5;
	(xrf2) =	vadd.scan.msk.f32 $0xffff, v11  }
0x49: {  	s16 =	simm.s32 $0xFFFFFFB0;
	v15 =	vor.u32 v0, v19;
	(v2sf) =	vpush v21, $0xF;
	v10 =	vadd.f32 v10, v17  }
0x4a: {  	v15 =	vor.u32 $0x40000, v15;
	(v2sf) =	vpush v13, $0xF;
	v12 =	vadd.f32 v20, v12;
	v17 =	vld.idx.msk [tilespmem:v4+s16+$0x0 ss:$0x1], $0xffff  }
0x4b: {  	v16 =	vsub.f32 v5, v16;
	v10 =	vmul.f32 v15, v10;
	v15 =	vld.idx.msk [tilespmem:v3+s16+$0x0 ss:$0x1], $0xffff  }
0x4c: {  	v23 =	vbroadcast v21, $0xF;
	v20 =	vmax.f32 v20, $1.000000000e+00  }
0x4d: {  	v22 =	vimm.f32 $0.0e+00;
	v8 =	vadd.f32 v18, v8;
	v18 =	vsub.f32 v16, v14;
	v19 =	vpop (erf)  }
0x4e: {  	v21 =	vsub.f32 v23, v21;
	v24 =	vmax.f32 v12, $1.000000000e+00;
	(erf) = vrcp.f32 v20;
	s18 =	spop (v2sf);
	v12, _, _ =	vpop (xrf2)  }
0x4f: {  	s17 =	simm.s32 $0xFFFFFE80;
	v14 =	vld.idx.msk [tilespmem:v1+s16+$0x0 ss:$0x1], $0xffff;
	(xrf2) =	vadd.scan.msk.f32 $0xffff, v8;
	v20 =	vpop (erf);
	v10 =	vadd.f32 v10, v22;
	v22 =	vbroadcast v13, $0xF;
	s15 =	sadd.f32 s18, s15;
	(erf) = vrcp.f32 v24  }
.LBB2_2:
0x50: {  	p0 =	sne.s32 s17, $0xFFFFC080;
	v23 =	vld.idx.msk [tilespmem:v2+s16+$0x0 ss:$0x1], $0xffff;
	v17 =	vadd.f32 v17, v15;
	v15 =	vmul.f32 v19, v16;
	v16 =	vmul.f32 v20, v18;
	s16 =	spop (v2sf)  }
0x51: {  	s13 =	sadd.s32 $0xFFFFFFF0, s13;
	v19 =	vmovc v11;
	v20 =	vmovc v7;
	v7 =	vmov v6;
	v18 =	vadd.f32 s15, v21;
	v13 =	vsub.f32 v22, v13;
	s14 =	sadd.f32 s16, s14  }
0x52: {  	s16 =	sshra.s32 s17, $0x2;
	v25 =	vmov s13;
	(xrf2) =	vadd.scan.msk.f32 $0xffff, v17;
	v21, _, _ =	vpop (xrf2);
	v16 =	vsub.f32 $1.000000000e+00, v16;
	v22 =	vadd.f32 $-1.000000000e+00, v15  }
0x53: {  	v6 =	vmovc v8;
	v24 =	vshll.u32 v25, $0x13;
	v11 =	vmovc v17;
	v15 =	vld.idx.msk [tilespmem:v3+s16+$0x0 ss:$0x1], $0xffff;
	(v2sf) =	vpush v21, $0xF;
	v26 =	vadd.f32 s14, v13  }
0x54: {  	v18 =	vadd.f32 v18, v5;
	v8 =	vor.u32 v0, v24;
	v17 =	vld.idx.msk [tilespmem:v4+s16+$0x0 ss:$0x1], $0xffff;
	v22 =	vadd.f32 v16, v22  }
.Ltmp0:
0x55: {  	v24 =	vor.u32 $0x40000, v8;
	(v2sf) =	vpush v12, $0xF;
	v16 =	vsub.f32 v5, v26;
	v13 =	vmovc v12;
	(pc) =	sbr.rel @p0 .LBB2_2-.Ltmp0, $4  }
0x56: {  	v8 =	vadd.f32 v23, v14;
	v25 =	vadd.f32 v18, v9;
	v9 =	vmovc v19;
	v14 =	vmul.f32 v24, v22  }
0x57: {  	v23 =	vmax.f32 v18, $1.000000000e+00;
	v22 =	vbroadcast v21, $0xF;
	v18 =	vsub.f32 v16, v20;
	v19 =	vpop (erf)  }
0x58: {  	v24 =	vmax.f32 v25, $1.000000000e+00;
	s18 =	spop (v2sf);
	(erf) = vrcp.f32 v23;
	v20 =	vpop (erf);
	v10 =	vadd.f32 v14, v10  }
0x59: {  	s17 =	sadd.s32 $0xFFFFFFC0, s17;
	v21 =	vsub.f32 v22, v21;
	v22 =	vbroadcast v13, $0xF;
	v14 =	vld.idx.msk [tilespmem:v1+s16+$0x0 ss:$0x1], $0xffff;
	(xrf2) =	vadd.scan.msk.f32 $0xffff, v8;
	v12, _, _ =	vpop (xrf2);
	s15 =	sadd.f32 s18, s15;
	(erf) = vrcp.f32 v24  }
0x5a: {  	v15 =	vadd.f32 v17, v15;
	_ =	sdelay $0x1  }
0x5b: {  	(xrf2) =	vadd.scan.msk.f32 $0xffff, v15;
	v28, _, _ =	vpop (xrf2)  }
0x5c: {  	(v2sf) =	vpush v28, $0xF;
	_ =	sdelay $0x5  }
0x5d: {  	v16 =	vmul.f32 v19, v16;
	v18 =	vmul.f32 v20, v18;
	s17 =	spop (v2sf)  }
0x5e: {  	v29 =	vld.idx.msk [tilespmem:v2+s16+$0x0 ss:$0x1], $0xffff;
	s13 =	sadd.s32 $0xFFFFFFF0, s13;
	v37 =	vbroadcast v12, $0xF;
	v30 =	vadd.f32 s15, v21;
	v13 =	vsub.f32 v22, v13;
	s14 =	sadd.f32 s17, s14  }
0x5f: {  	v31 =	vmov s13;
	v18 =	vsub.f32 $1.000000000e+00, v18;
	(v2sf) =	vpush v12, $0xF;
	v32, _, _ =	vpop (xrf2)  }
0x60: {  	s13 =	sadd.s32 $0xFFFFFFF0, s13;
	v16 =	vadd.f32 $-1.000000000e+00, v16;
	v21 =	vshll.u32 v31, $0x13;
	v13 =	vadd.f32 s14, v13;
	v33, _, _ =	vpop (xrf2)  }
0x61: {  	v39 =	vmov s13;
	v20 =	vadd.f32 v30, v5;
	(v2sf) =	vpush v33, $0xF  }
0x62: {  	v34 =	vbroadcast v28, $0xF;
	v16 =	vadd.f32 v18, v16;
	(v2sf) =	vpush v32, $0xF  }
0x63: {  	v21 =	vor.u32 v0, v21;
	v12 =	vsub.f32 v37, v12;
	v14 =	vadd.f32 v29, v14;
	s24 =	spop (v2sf)  }
0x64: {  	v21 =	vor.u32 $0x40000, v21;
	v13 =	vsub.f32 v5, v13;
	v17 =	vsub.f32 v34, v28;
	s25 =	sadd.f32 s24, s15  }
0x65: {  	v9 =	vadd.f32 v20, v9;
	v20 =	vmax.f32 v20, $1.000000000e+00;
	(xrf2) =	vadd.scan.msk.f32 $0xffff, v14;
	s26 =	spop (v2sf);
	v23 =	vbroadcast v33, $0xF  }
0x66: {  	v16 =	vmul.f32 v21, v16;
	v7 =	vsub.f32 v13, v7;
	v35 =	vpop (erf);
	v17 =	vadd.f32 s25, v17;
	s28 =	spop (v2sf)  }
0x67: {  	(erf) = vrcp.f32 v20;
	v36 =	vpop (erf);
	v13 =	vmul.f32 v35, v13;
	v18 =	vsub.f32 v23, v33;
	s15 =	sadd.f32 s28, s25  }
0x68: {  	v9 =	vmax.f32 v9, $1.000000000e+00;
	v7 =	vmul.f32 v36, v7;
	v38 =	vadd.f32 v17, v5  }
0x69: {  	(erf) = vrcp.f32 v9;
	v13 =	vadd.f32 $-1.000000000e+00, v13;
	s14 =	sadd.f32 s26, s14;
	v18 =	vadd.f32 s15, v18  }
0x6a: {  	v40 =	vbroadcast v32, $0xF;
	v7 =	vsub.f32 $1.000000000e+00, v7;
	v11 =	vadd.f32 v38, v11  }
0x6b: {  	v12 =	vadd.f32 s14, v12;
	v9 =	vmax.f32 v38, $1.000000000e+00;
	v18 =	vadd.f32 v18, v5  }
0x6c: {  	v17 =	vshll.u32 v39, $0x13;
	(erf) = vrcp.f32 v9;
	v11 =	vmax.f32 v11, $1.000000000e+00  }
0x6d: {  	v7 =	vadd.f32 v7, v13;
	(erf) = vrcp.f32 v11;
	v41 =	vadd.f32 v18, v15  }
0x6e: {  	v17 =	vor.u32 v0, v17;
	v12 =	vsub.f32 v5, v12;
	s29 =	spop (v2sf);
	v43 =	vmax.f32 v18, $1.000000000e+00  }
0x6f: {  	v9 =	vsub.f32 v40, v32;
	v44, _, _ =	vpop (xrf2);
	s14 =	sadd.f32 s29, s14;
	(erf) = vrcp.f32 v43;
	v11 =	vmax.f32 v41, $1.000000000e+00  }
0x70: {  	v42 =	vor.u32 $0x40000, v17;
	v45 =	vpop (erf);
	v46 =	vbroadcast v44, $0xF;
	s30 =	spop (v2sf);
	(erf) = vrcp.f32 v11  }
0x71: {  	v10 =	vadd.f32 v16, v10;
	v7 =	vmul.f32 v42, v7;
	v9 =	vadd.f32 s14, v9;
	s15 =	spop (v2sf)  }
0x72: {  	v6 =	vsub.f32 v12, v6;
	v48 =	vsub.f32 v46, v44;
	s14 =	sadd.f32 s15, s14  }
0x73: {  	v47 =	vpop (erf);
	v49 =	vmul.f32 v45, v12;
	v7 =	vadd.f32 v7, v10;
	v9 =	vsub.f32 v5, v9  }
0x74: {  	s13 =	sadd.s32 $0xFFFFFFF0, s13;
	v6 =	vmul.f32 v47, v6;
	(v2sf) =	vpush v44, $0xF;
	v11 =	vadd.f32 s14, v48  }
0x75: {  	v51 =	vmov s13;
	s13 =	sadd.s32 $0xFFFFFFF0, s13;
	v10 =	vadd.f32 $-1.000000000e+00, v49;
	v50 =	vpop (erf);
	v8 =	vsub.f32 v9, v8  }
0x76: {  	v57 =	vmov s13;
	s13 =	sadd.s32 $0xFFFFFFF0, s13;
	v6 =	vsub.f32 $1.000000000e+00, v6;
	v52 =	vpop (erf);
	v5 =	vsub.f32 v5, v11  }
0x77: {  	v61 =	vmov s13;
	v9 =	vmul.f32 v50, v9;
	v8 =	vmul.f32 v52, v8  }
0x78: {  	v13 =	vshll.u32 v51, $0x13;
	v6 =	vadd.f32 v6, v10;
	v56 =	vpop (erf);
	v55 =	vsub.f32 v5, v14  }
0x79: {  	v53 =	vor.u32 v0, v13;
	v9 =	vadd.f32 $-1.000000000e+00, v9;
	v8 =	vsub.f32 $1.000000000e+00, v8;
	v58 =	vpop (erf)  }
0x7a: {  	v54 =	vor.u32 $0x40000, v53;
	v5 =	vmul.f32 v56, v5;
	v11 =	vmul.f32 v58, v55  }
0x7b: {  	v13 =	vshll.u32 v57, $0x13;
	v6 =	vmul.f32 v54, v6;
	v8 =	vadd.f32 v8, v9  }
0x7c: {  	v59 =	vor.u32 v0, v13;
	v5 =	vadd.f32 $-1.000000000e+00, v5;
	v60 =	vsub.f32 $1.000000000e+00, v11  }
0x7d: {  	v62 =	vshll.u32 v61, $0x13;
	v6 =	vadd.f32 v6, v7;
	v7 =	vor.u32 $0x40000, v59  }
0x7e: {  	v63 =	vor.u32 v0, v62;
	v7 =	vmul.f32 v7, v8;
	v5 =	vadd.f32 v60, v5  }
0x7f: {  	v8 =	vor.u32 $0x40000, v63  }
0x80: {  	v6 =	vadd.f32 v7, v6;
	v5 =	vmul.f32 v8, v5;
	_ =	sdelay $0x1  }
0x81: {  	s12 =	sadd.s32 $0x1, s12;
	v5 =	vadd.f32 v5, v6  }
0x82: {  	p0 =	sne.s32 s12, s9  }
.Ltmp1:
0x83: {  	s31 =	spop (v2sf);
	[tilespmem:$0x4000] =	vst v5;
	(pc) =	sbr.rel @p0 .LBB2_1-.Ltmp1, $4  }
0x84: {  	[hbm4b:s8+s2] =	stream.linear.scatter [tilespmem:s11], [sflag:$0x1], $0x10, $0x38;
	[tilespmem:$0x4080] =	vst v63  }
0x85: {  	_ =	swait.ge [sflag:s3], $0x10  }
0x86: {  	[sflag:s3] =	ssyncset.done $0x0  }
0x87: {  	[sflag:s3] =	ssyncadd.s32 $0xFFFFFFF0  }
0x88: {  	_ =	sfence.sel $0x180000  }
0x89: {  	[bflag:$0x0] =	sbarrier.arrive $0xFFFF  }
0x8a: {  	p0 =	sne.s32 s0, $0x0;
	_ =	strace $0x9000004A  }
0x8b: {  	s0 =	sadd.s32 @!p0 $0x100000, s1;
	[bflag:$0x2] =	sbarrier.arrive $0xFFFF  }
0x8c: {  	[sflag:s0] =	ssyncadd.tile.s32 @!p0 $0x1;
	_ =	shalt  }
.Lfunc_end2:
_tile_overlayer_lowered:
.L_overlay_start_2:
0x8d: {  	(tag) =	ssettag $0x2  }
0x8e: {  	s0 =	rddreg [dreg:$0x0];
	s2 =	stileid.u32  }
0x8f: {  	s1 =	rddreg [dreg:$0x1];
	p0 =	sne.s32 s2, $0x0  }
0x90: {  	s3 =	rddreg [dreg:$0x2];
	[bflag:$0x3] =	sbarrier.arrive $0xFFFF;
	s2 =	simm.s32 @!p0 $0x1C01  }
0x91: {  	[timem:s3], [sflag:s2] =	dma.local @!p0 [hbm:s0], s1  }
0x92: {  	s0 =	simm.s32 @!p0 $0x1  }
0x93: {  	_ =	swait.ge @!p0 [sflag:s0], s1  }
0x94: {  	s1 =	ssub.s32 @!p0 $0x0, s1;
	[sflag:s0] =	ssyncset.done @!p0 $0x0  }
0x95: {  	[sflag:s0] =	ssyncadd.s32 @!p0 s1  }
0x96: {  	[bflag:$0x3] =	sbarrier.arrive $0xFFFF  }
0x97: {  	_ =	shalt  }

</sc_bundles>
